<compile_context>
chip_gen: v7x
topology: tpu7x:2x2x1
jax: 0.10.2.dev20260603
libtpu: 0.0.44.dev20260713+nightly
codegen_flags: <defaults>
</compile_context>

<pallas_src>
import functools

import jax
import jax.numpy as jnp
from jax import lax
from jax.experimental import pallas as pl
from jax.experimental.pallas import tpu as pltpu
from jax.experimental.pallas import tpu_sc as plsc

L = 16
ROW = 2048
NROWS = 16384
NBINS = 64
CHUNK_ROWS = 16


@functools.lru_cache(maxsize=None)
def _build_sc_kernel(nc, ns):
    nw = nc * ns
    rows_per_w = NROWS // nw
    n_chunks = rows_per_w // CHUNK_ROWS
    chunk_elems = CHUNK_ROWS * ROW

    mesh = plsc.VectorSubcoreMesh(
        core_axis_name="c", subcore_axis_name="s",
        num_cores=nc, num_subcores=ns)

    @functools.partial(
        pl.kernel,
        out_type=(jax.ShapeDtypeStruct((NROWS,), jnp.float32),
                  jax.ShapeDtypeStruct((NROWS,), jnp.float32)),
        mesh=mesh,
        compiler_params=pltpu.CompilerParams(needs_layout_passes=False),
        scratch_types=[
            pltpu.VMEM((chunk_elems,), jnp.int32),
            pltpu.VMEM((L * NBINS,), jnp.float32),
            pltpu.VMEM((NBINS,), jnp.float32),
            pltpu.VMEM((NBINS,), jnp.float32),
            pltpu.VMEM((rows_per_w,), jnp.float32),
            pltpu.VMEM((rows_per_w,), jnp.float32),
            pltpu.VMEM((CHUNK_ROWS * L,), jnp.float32),
            pltpu.VMEM((CHUNK_ROWS * L,), jnp.float32),
        ],
    )
    def k(idx_hbm, tlut_hbm, llut_hbm, tai_hbm, cai_hbm,
          idx_v, hist, tlut, llut, tstage, lstage, tpart, lpart):
        wid = lax.axis_index("s") * nc + lax.axis_index("c")
        base_elem = wid * (rows_per_w * ROW)

        pltpu.sync_copy(tlut_hbm, tlut)
        pltpu.sync_copy(llut_hbm, llut)

        zero16 = jnp.zeros((L,), jnp.float32)
        ones16 = jnp.full((L,), 1.0, jnp.float32)
        lane_base = lax.iota(jnp.int32, L) * NBINS

        for li in range(L):
            for kk in range(NBINS // L):
                hist[pl.ds(li * NBINS + kk * L, L)] = zero16

        def row_body(r, chunk):
            rbase = r * ROW

            def vec_body(j, carry):
                b = rbase + j * (8 * L)
                for u in range(8):
                    iv = idx_v[pl.ds(b + u * L, L)]
                    plsc.addupdate_scatter(hist, [lane_base + iv], ones16)
                return carry

            lax.fori_loop(0, ROW // (8 * L), vec_body, 0, unroll=1)

            bins = [zero16] * (NBINS // L)
            for li in range(L):
                for kk in range(NBINS // L):
                    sl = pl.ds(li * NBINS + kk * L, L)
                    bins[kk] = bins[kk] + hist[sl]
                    hist[sl] = zero16
            tsum = zero16
            lsum = zero16
            for kk in range(NBINS // L):
                tsum = tsum + bins[kk] * tlut[pl.ds(kk * L, L)]
                lsum = lsum + bins[kk] * llut[pl.ds(kk * L, L)]
            tpart[pl.ds(r * L, L)] = tsum
            lpart[pl.ds(r * L, L)] = lsum
            return chunk

        lane_l = lax.iota(jnp.int32, L) * L

        def chunk_body(c, carry):
            pltpu.sync_copy(
                idx_hbm.at[pl.ds(base_elem + c * chunk_elems, chunk_elems)],
                idx_v)
            lax.fori_loop(0, CHUNK_ROWS, row_body, c)
            tvec = zero16
            lvec = zero16
            for li in range(L):
                gi = lane_l + li
                tvec = tvec + plsc.load_gather(tpart, [gi])
                lvec = lvec + plsc.load_gather(lpart, [gi])
            tstage[pl.ds(c * CHUNK_ROWS, CHUNK_ROWS)] = tvec
            lstage[pl.ds(c * CHUNK_ROWS, CHUNK_ROWS)] = lvec
            return carry

        lax.fori_loop(0, n_chunks, chunk_body, 0)

        inv_n = jnp.full((L,), 1.0 / ROW, jnp.float32)

        def post_body(i, carry):
            o = i * L
            tstage[pl.ds(o, L)] = tstage[pl.ds(o, L)] * inv_n
            lstage[pl.ds(o, L)] = jnp.exp(lstage[pl.ds(o, L)] * inv_n)
            return carry

        lax.fori_loop(0, rows_per_w // L, post_body, 0)

        out_base = wid * rows_per_w
        pltpu.sync_copy(tstage, tai_hbm.at[pl.ds(out_base, rows_per_w)])
        pltpu.sync_copy(lstage, cai_hbm.at[pl.ds(out_base, rows_per_w)])

    return k


def kernel(codon_indices, usage_freqs, tai_weights):
    log_lut = jnp.log(usage_freqs / usage_freqs.max() + 1e-8)
    idx_flat = codon_indices.reshape(-1)
    try:
        info = plsc.get_sparse_core_info()
        nc, ns = info.num_cores, info.num_subcores
    except Exception:
        nc, ns = 2, 16
    tai, cai = _build_sc_kernel(nc, ns)(idx_flat, tai_weights, log_lut)
    return tai, cai

# --- scband reference (transcript-rebuilt; emitter-appended) ---
"""Pipeline reference for scband-codon-optimality-score-12335146074813 (READ-ONLY COPY).

The authoritative reference and input builder live on the scoring server;
editing this copy changes nothing except your own understanding.
"""

import jax, jax.numpy as jnp
import numpy as np

CODON_USAGE_HUMAN = {'TTT': 17.6, 'TTC': 20.3, 'TTA': 7.7, 'TTG': 12.9, 'CTT': 13.2, 'CTC': 19.6, 'CTA': 7.2, 'CTG': 39.6, 'ATT': 16.0, 'ATC': 20.8, 'ATA': 7.5, 'ATG': 22.0, 'GTT': 11.0, 'GTC': 14.5, 'GTA': 7.1, 'GTG': 28.1, 'TCT': 15.2, 'TCC': 17.7, 'TCA': 12.2, 'TCG': 4.4, 'AGT': 12.1, 'AGC': 19.5, 'CCT': 17.5, 'CCC': 19.8, 'CCA': 16.9, 'CCG': 6.9, 'ACT': 13.1, 'ACC': 18.9, 'ACA': 15.1, 'ACG': 6.1, 'GCT': 18.4, 'GCC': 27.7, 'GCA': 15.8, 'GCG': 7.4, 'TAT': 12.2, 'TAC': 15.3, 'TAA': 1.0, 'TAG': 0.8, 'TGA': 1.6, 'CAT': 10.9, 'CAC': 15.1, 'CAA': 12.3, 'CAG': 34.2, 'AAT': 17.0, 'AAC': 19.1, 'AAA': 24.4, 'AAG': 31.9, 'GAT': 21.8, 'GAC': 25.1, 'GAA': 29.0, 'GAG': 39.6, 'TGT': 10.6, 'TGC': 12.6, 'TGG': 13.2, 'CGT': 4.5, 'CGC': 10.4, 'CGA': 6.2, 'CGG': 11.4, 'AGA': 12.2, 'AGG': 12.0, 'GGT': 10.8, 'GGC': 22.2, 'GGA': 16.5, 'GGG': 16.5}

TRNA_COPY_NUMBERS_HUMAN = {'TTT': 7, 'TTC': 10, 'TTA': 2, 'TTG': 4, 'CTT': 5, 'CTC': 8, 'CTA': 2, 'CTG': 12, 'ATT': 6, 'ATC': 8, 'ATA': 3, 'ATG': 10, 'GTT': 4, 'GTC': 6, 'GTA': 3, 'GTG': 10, 'TCT': 5, 'TCC': 7, 'TCA': 4, 'TCG': 2, 'AGT': 4, 'AGC': 8, 'CCT': 6, 'CCC': 8, 'CCA': 6, 'CCG': 2, 'ACT': 5, 'ACC': 8, 'ACA': 5, 'ACG': 2, 'GCT': 7, 'GCC': 10, 'GCA': 5, 'GCG': 3, 'TAT': 5, 'TAC': 7, 'TAA': 0, 'TAG': 0, 'TGA': 0, 'CAT': 4, 'CAC': 6, 'CAA': 5, 'CAG': 10, 'AAT': 6, 'AAC': 8, 'AAA': 8, 'AAG': 10, 'GAT': 8, 'GAC': 10, 'GAA': 10, 'GAG': 12, 'TGT': 4, 'TGC': 5, 'TGG': 5, 'CGT': 2, 'CGC': 4, 'CGA': 2, 'CGG': 4, 'AGA': 5, 'AGG': 5, 'GGT': 4, 'GGC': 8, 'GGA': 6, 'GGG': 6}

def get_codon_triplet(idx):
    bases = 'TCAG'
    return bases[(idx >> 4) & 3] + bases[(idx >> 2) & 3] + bases[idx & 3]

def setup_inputs(seed: int = 0):
    key = jax.random.key(seed)
    codon_indices = jax.random.randint(key, (16384, 2048), 0, 64, dtype=jnp.int32)
    usage_freqs = jnp.array([CODON_USAGE_HUMAN.get(get_codon_triplet(i), 1.0) for i in range(64)], dtype=jnp.float32)
    tw = jnp.array([TRNA_COPY_NUMBERS_HUMAN.get(get_codon_triplet(i), 1) for i in range(64)], dtype=jnp.float32)
    tai_weights = tw / tw.max()
    return {"codon_indices": codon_indices, "usage_freqs": usage_freqs, "tai_weights": tai_weights}

def reference(codon_indices, usage_freqs, tai_weights):
    idx = jnp.clip(codon_indices, 0, 63)
    tai = jnp.take(tai_weights, idx, axis=0).mean(axis=-1)
    freqs = jnp.take(usage_freqs, idx, axis=0)
    max_freq = usage_freqs.max()
    rel_freq = freqs / max_freq
    log_rel = jnp.log(rel_freq + 1e-08)
    cai = jnp.exp(log_rel.mean(axis=-1))
    return (tai, cai)

if __name__ == "__main__":
    import jax
    _d = setup_inputs()
    print(jax.jit(kernel)(*tuple(_d.values())))

</pallas_src>

<mosaic_0001>
#map = affine_map<(d0, d1) -> (0)>
module attributes {stable_mosaic.version = 14 : i64} {
  func.func @k(%arg0: i32, %arg1: i32, %arg2: memref<33554432xi32, #tpu.memory_space<hbm>>, %arg3: memref<64xf32, #tpu.memory_space<hbm>>, %arg4: memref<64xf32, #tpu.memory_space<hbm>>, %arg5: memref<16384xf32, #tpu.memory_space<hbm>>, %arg6: memref<16384xf32, #tpu.memory_space<hbm>>, %arg7: memref<32768xi32, #tpu.memory_space<vmem>>, %arg8: memref<1024xf32, #tpu.memory_space<vmem>>, %arg9: memref<64xf32, #tpu.memory_space<vmem>>, %arg10: memref<64xf32, #tpu.memory_space<vmem>>, %arg11: memref<512xf32, #tpu.memory_space<vmem>>, %arg12: memref<512xf32, #tpu.memory_space<vmem>>, %arg13: memref<256xf32, #tpu.memory_space<vmem>>, %arg14: memref<256xf32, #tpu.memory_space<vmem>>) attributes {dimension_semantics = [#tpu.dimension_semantics<core_parallel>, #tpu.dimension_semantics<subcore_parallel>], iteration_bounds = array<i64: 2, 16>, scalar_prefetch = 0 : i64, scratch_operands = 8 : i64, tpu.core_type = #tpu.core_type<sc_vector_subcore>, window_params = [{transform_indices = #map}, {transform_indices = #map}, {transform_indices = #map}, {transform_indices = #map}, {transform_indices = #map}]} {
    %mul3A = arith.constant 2 : i32
    %mul3A_0 = arith.muli %arg1, %mul3A : i32
    %add3A = arith.addi %mul3A_0, %arg0 : i32
    %mul3A_1 = arith.constant 1048576 : i32
    %mul3A_2 = arith.muli %add3A, %mul3A_1 : i32
    "tpu.region"() ({
      %run_scoped3A = tpu.sem_alloc : memref<!tpu.dma_semaphore, #tpu.memory_space<semaphore_mem>>
      tpu.enqueue_dma source(%arg3 : memref<64xf32, #tpu.memory_space<hbm>>) target(%arg9 : memref<64xf32, #tpu.memory_space<vmem>>) target_semaphore(%run_scoped3A : memref<!tpu.dma_semaphore, #tpu.memory_space<semaphore_mem>>)
      tpu.wait_dma2 semaphore(%run_scoped3A : memref<!tpu.dma_semaphore, #tpu.memory_space<semaphore_mem>>) src(%arg3 : memref<64xf32, #tpu.memory_space<hbm>>) dst(%arg9 : memref<64xf32, #tpu.memory_space<vmem>>)
      tpu.yield
    }) : () -> ()
    "tpu.region"() ({
      %run_scoped3A = tpu.sem_alloc : memref<!tpu.dma_semaphore, #tpu.memory_space<semaphore_mem>>
      tpu.enqueue_dma source(%arg4 : memref<64xf32, #tpu.memory_space<hbm>>) target(%arg10 : memref<64xf32, #tpu.memory_space<vmem>>) target_semaphore(%run_scoped3A : memref<!tpu.dma_semaphore, #tpu.memory_space<semaphore_mem>>)
      tpu.wait_dma2 semaphore(%run_scoped3A : memref<!tpu.dma_semaphore, #tpu.memory_space<semaphore_mem>>) src(%arg4 : memref<64xf32, #tpu.memory_space<hbm>>) dst(%arg10 : memref<64xf32, #tpu.memory_space<vmem>>)
      tpu.yield
    }) : () -> ()
    %broadcast_in_dim3A = arith.constant 0.000000e+00 : f32
    %broadcast_in_dim3A_3 = vector.broadcast %broadcast_in_dim3A : f32 to vector<16xf32>
    %broadcast_in_dim3A_4 = arith.constant 1.000000e+00 : f32
    %broadcast_in_dim3A_5 = vector.broadcast %broadcast_in_dim3A_4 : f32 to vector<16xf32>
    %iota3A = tpu.iota {dimensions = array<i32: 0>} : vector<16xi32>
    %mul3A_6 = arith.constant 64 : i32
    %mul3A_7 = vector.broadcast %mul3A_6 : i32 to vector<16xi32>
    %mul3A_8 = arith.muli %iota3A, %mul3A_7 : vector<16xi32>
    %swap3A = arith.constant 0 : index
    %swap3A_9 = tpu.vector_load %arg8[%swap3A] {strides = array<i32>} : memref<1024xf32, #tpu.memory_space<vmem>>, vector<16xf32>,
    tpu.vector_store %arg8[%swap3A], %broadcast_in_dim3A_3 {strides = array<i32>} : memref<1024xf32, #tpu.memory_space<vmem>>, vector<16xf32>,
    %swap3A_10 = arith.constant 16 : index
    %swap3A_11 = tpu.vector_load %arg8[%swap3A_10] {strides = array<i32>} : memref<1024xf32, #tpu.memory_space<vmem>>, vector<16xf32>,
    tpu.vector_store %arg8[%swap3A_10], %broadcast_in_dim3A_3 {strides = array<i32>} : memref<1024xf32, #tpu.memory_space<vmem>>, vector<16xf32>,
    %swap3A_12 = arith.constant 32 : index
    %swap3A_13 = tpu.vector_load %arg8[%swap3A_12] {strides = array<i32>} : memref<1024xf32, #tpu.memory_space<vmem>>, vector<16xf32>,
    tpu.vector_store %arg8[%swap3A_12], %broadcast_in_dim3A_3 {strides = array<i32>} : memref<1024xf32, #tpu.memory_space<vmem>>, vector<16xf32>,
    %swap3A_14 = arith.constant 48 : index
    %swap3A_15 = tpu.vector_load %arg8[%swap3A_14] {strides = array<i32>} : memref<1024xf32, #tpu.memory_space<vmem>>, vector<16xf32>,
    tpu.vector_store %arg8[%swap3A_14], %broadcast_in_dim3A_3 {strides = array<i32>} : memref<1024xf32, #tpu.memory_space<vmem>>, vector<16xf32>,
    %swap3A_16 = arith.constant 64 : index
    %swap3A_17 = tpu.vector_load %arg8[%swap3A_16] {strides = array<i32>} : memref<1024xf32, #tpu.memory_space<vmem>>, vector<16xf32>,
    tpu.vector_store %arg8[%swap3A_16], %broadcast_in_dim3A_3 {strides = array<i32>} : memref<1024xf32, #tpu.memory_space<vmem>>, vector<16xf32>,
    %swap3A_18 = arith.constant 80 : index
    %swap3A_19 = tpu.vector_load %arg8[%swap3A_18] {strides = array<i32>} : memref<1024xf32, #tpu.memory_space<vmem>>, vector<16xf32>,
    tpu.vector_store %arg8[%swap3A_18], %broadcast_in_dim3A_3 {strides = array<i32>} : memref<1024xf32, #tpu.memory_space<vmem>>, vector<16xf32>,
    %swap3A_20 = arith.constant 96 : index
    %swap3A_21 = tpu.vector_load %arg8[%swap3A_20] {strides = array<i32>} : memref<1024xf32, #tpu.memory_space<vmem>>, vector<16xf32>,
    tpu.vector_store %arg8[%swap3A_20], %broadcast_in_dim3A_3 {strides = array<i32>} : memref<1024xf32, #tpu.memory_space<vmem>>, vector<16xf32>,
    %swap3A_22 = arith.constant 112 : index
    %swap3A_23 = tpu.vector_load %arg8[%swap3A_22] {strides = array<i32>} : memref<1024xf32, #tpu.memory_space<vmem>>, vector<16xf32>,
    tpu.vector_store %arg8[%swap3A_22], %broadcast_in_dim3A_3 {strides = array<i32>} : memref<1024xf32, #tpu.memory_space<vmem>>, vector<16xf32>,
    %swap3A_24 = arith.constant 128 : index
    %swap3A_25 = tpu.vector_load %arg8[%swap3A_24] {strides = array<i32>} : memref<1024xf32, #tpu.memory_space<vmem>>, vector<16xf32>,
    tpu.vector_store %arg8[%swap3A_24], %broadcast_in_dim3A_3 {strides = array<i32>} : memref<1024xf32, #tpu.memory_space<vmem>>, vector<16xf32>,
    %swap3A_26 = arith.constant 144 : index
    %swap3A_27 = tpu.vector_load %arg8[%swap3A_26] {strides = array<i32>} : memref<1024xf32, #tpu.memory_space<vmem>>, vector<16xf32>,
    tpu.vector_store %arg8[%swap3A_26], %broadcast_in_dim3A_3 {strides = array<i32>} : memref<1024xf32, #tpu.memory_space<vmem>>, vector<16xf32>,
    %swap3A_28 = arith.constant 160 : index
    %swap3A_29 = tpu.vector_load %arg8[%swap3A_28] {strides = array<i32>} : memref<1024xf32, #tpu.memory_space<vmem>>, vector<16xf32>,
    tpu.vector_store %arg8[%swap3A_28], %broadcast_in_dim3A_3 {strides = array<i32>} : memref<1024xf32, #tpu.memory_space<vmem>>, vector<16xf32>,
    %swap3A_30 = arith.constant 176 : index
    %swap3A_31 = tpu.vector_load %arg8[%swap3A_30] {strides = array<i32>} : memref<1024xf32, #tpu.memory_space<vmem>>, vector<16xf32>,
    tpu.vector_store %arg8[%swap3A_30], %broadcast_in_dim3A_3 {strides = array<i32>} : memref<1024xf32, #tpu.memory_space<vmem>>, vector<16xf32>,
    %swap3A_32 = arith.constant 192 : index
    %swap3A_33 = tpu.vector_load %arg8[%swap3A_32] {strides = array<i32>} : memref<1024xf32, #tpu.memory_space<vmem>>, vector<16xf32>,
    tpu.vector_store %arg8[%swap3A_32], %broadcast_in_dim3A_3 {strides = array<i32>} : memref<1024xf32, #tpu.memory_space<vmem>>, vector<16xf32>,
    %swap3A_34 = arith.constant 208 : index
    %swap3A_35 = tpu.vector_load %arg8[%swap3A_34] {strides = array<i32>} : memref<1024xf32, #tpu.memory_space<vmem>>, vector<16xf32>,
    tpu.vector_store %arg8[%swap3A_34], %broadcast_in_dim3A_3 {strides = array<i32>} : memref<1024xf32, #tpu.memory_space<vmem>>, vector<16xf32>,
    %swap3A_36 = arith.constant 224 : index
    %swap3A_37 = tpu.vector_load %arg8[%swap3A_36] {strides = array<i32>} : memref<1024xf32, #tpu.memory_space<vmem>>, vector<16xf32>,
    tpu.vector_store %arg8[%swap3A_36], %broadcast_in_dim3A_3 {strides = array<i32>} : memref<1024xf32, #tpu.memory_space<vmem>>, vector<16xf32>,
    %swap3A_38 = arith.constant 240 : index
    %swap3A_39 = tpu.vector_load %arg8[%swap3A_38] {strides = array<i32>} : memref<1024xf32, #tpu.memory_space<vmem>>, vector<16xf32>,
    tpu.vector_store %arg8[%swap3A_38], %broadcast_in_dim3A_3 {strides = array<i32>} : memref<1024xf32, #tpu.memory_space<vmem>>, vector<16xf32>,
    %swap3A_40 = arith.constant 256 : index
    %swap3A_41 = tpu.vector_load %arg8[%swap3A_40] {strides = array<i32>} : memref<1024xf32, #tpu.memory_space<vmem>>, vector<16xf32>,
    tpu.vector_store %arg8[%swap3A_40], %broadcast_in_dim3A_3 {strides = array<i32>} : memref<1024xf32, #tpu.memory_space<vmem>>, vector<16xf32>,
    %swap3A_42 = arith.constant 272 : index
    %swap3A_43 = tpu.vector_load %arg8[%swap3A_42] {strides = array<i32>} : memref<1024xf32, #tpu.memory_space<vmem>>, vector<16xf32>,
    tpu.vector_store %arg8[%swap3A_42], %broadcast_in_dim3A_3 {strides = array<i32>} : memref<1024xf32, #tpu.memory_space<vmem>>, vector<16xf32>,
    %swap3A_44 = arith.constant 288 : index
    %swap3A_45 = tpu.vector_load %arg8[%swap3A_44] {strides = array<i32>} : memref<1024xf32, #tpu.memory_space<vmem>>, vector<16xf32>,
    tpu.vector_store %arg8[%swap3A_44], %broadcast_in_dim3A_3 {strides = array<i32>} : memref<1024xf32, #tpu.memory_space<vmem>>, vector<16xf32>,
    %swap3A_46 = arith.constant 304 : index
    %swap3A_47 = tpu.vector_load %arg8[%swap3A_46] {strides = array<i32>} : memref<1024xf32, #tpu.memory_space<vmem>>, vector<16xf32>,
    tpu.vector_store %arg8[%swap3A_46], %broadcast_in_dim3A_3 {strides = array<i32>} : memref<1024xf32, #tpu.memory_space<vmem>>, vector<16xf32>,
    %swap3A_48 = arith.constant 320 : index
    %swap3A_49 = tpu.vector_load %arg8[%swap3A_48] {strides = array<i32>} : memref<1024xf32, #tpu.memory_space<vmem>>, vector<16xf32>,
    tpu.vector_store %arg8[%swap3A_48], %broadcast_in_dim3A_3 {strides = array<i32>} : memref<1024xf32, #tpu.memory_space<vmem>>, vector<16xf32>,
    %swap3A_50 = arith.constant 336 : index
    %swap3A_51 = tpu.vector_load %arg8[%swap3A_50] {strides = array<i32>} : memref<1024xf32, #tpu.memory_space<vmem>>, vector<16xf32>,
    tpu.vector_store %arg8[%swap3A_50], %broadcast_in_dim3A_3 {strides = array<i32>} : memref<1024xf32, #tpu.memory_space<vmem>>, vector<16xf32>,
    %swap3A_52 = arith.constant 352 : index
    %swap3A_53 = tpu.vector_load %arg8[%swap3A_52] {strides = array<i32>} : memref<1024xf32, #tpu.memory_space<vmem>>, vector<16xf32>,
    tpu.vector_store %arg8[%swap3A_52], %broadcast_in_dim3A_3 {strides = array<i32>} : memref<1024xf32, #tpu.memory_space<vmem>>, vector<16xf32>,
    %swap3A_54 = arith.constant 368 : index
    %swap3A_55 = tpu.vector_load %arg8[%swap3A_54] {strides = array<i32>} : memref<1024xf32, #tpu.memory_space<vmem>>, vector<16xf32>,
    tpu.vector_store %arg8[%swap3A_54], %broadcast_in_dim3A_3 {strides = array<i32>} : memref<1024xf32, #tpu.memory_space<vmem>>, vector<16xf32>,
    %swap3A_56 = arith.constant 384 : index
    %swap3A_57 = tpu.vector_load %arg8[%swap3A_56] {strides = array<i32>} : memref<1024xf32, #tpu.memory_space<vmem>>, vector<16xf32>,
    tpu.vector_store %arg8[%swap3A_56], %broadcast_in_dim3A_3 {strides = array<i32>} : memref<1024xf32, #tpu.memory_space<vmem>>, vector<16xf32>,
    %swap3A_58 = arith.constant 400 : index
    %swap3A_59 = tpu.vector_load %arg8[%swap3A_58] {strides = array<i32>} : memref<1024xf32, #tpu.memory_space<vmem>>, vector<16xf32>,
    tpu.vector_store %arg8[%swap3A_58], %broadcast_in_dim3A_3 {strides = array<i32>} : memref<1024xf32, #tpu.memory_space<vmem>>, vector<16xf32>,
    %swap3A_60 = arith.constant 416 : index
    %swap3A_61 = tpu.vector_load %arg8[%swap3A_60] {strides = array<i32>} : memref<1024xf32, #tpu.memory_space<vmem>>, vector<16xf32>,
    tpu.vector_store %arg8[%swap3A_60], %broadcast_in_dim3A_3 {strides = array<i32>} : memref<1024xf32, #tpu.memory_space<vmem>>, vector<16xf32>,
    %swap3A_62 = arith.constant 432 : index
    %swap3A_63 = tpu.vector_load %arg8[%swap3A_62] {strides = array<i32>} : memref<1024xf32, #tpu.memory_space<vmem>>, vector<16xf32>,
    tpu.vector_store %arg8[%swap3A_62], %broadcast_in_dim3A_3 {strides = array<i32>} : memref<1024xf32, #tpu.memory_space<vmem>>, vector<16xf32>,
    %swap3A_64 = arith.constant 448 : index
    %swap3A_65 = tpu.vector_load %arg8[%swap3A_64] {strides = array<i32>} : memref<1024xf32, #tpu.memory_space<vmem>>, vector<16xf32>,
    tpu.vector_store %arg8[%swap3A_64], %broadcast_in_dim3A_3 {strides = array<i32>} : memref<1024xf32, #tpu.memory_space<vmem>>, vector<16xf32>,
    %swap3A_66 = arith.constant 464 : index
    %swap3A_67 = tpu.vector_load %arg8[%swap3A_66] {strides = array<i32>} : memref<1024xf32, #tpu.memory_space<vmem>>, vector<16xf32>,
    tpu.vector_store %arg8[%swap3A_66], %broadcast_in_dim3A_3 {strides = array<i32>} : memref<1024xf32, #tpu.memory_space<vmem>>, vector<16xf32>,
    %swap3A_68 = arith.constant 480 : index
    %swap3A_69 = tpu.vector_load %arg8[%swap3A_68] {strides = array<i32>} : memref<1024xf32, #tpu.memory_space<vmem>>, vector<16xf32>,
    tpu.vector_store %arg8[%swap3A_68], %broadcast_in_dim3A_3 {strides = array<i32>} : memref<1024xf32, #tpu.memory_space<vmem>>, vector<16xf32>,
    %swap3A_70 = arith.constant 496 : index
    %swap3A_71 = tpu.vector_load %arg8[%swap3A_70] {strides = array<i32>} : memref<1024xf32, #tpu.memory_space<vmem>>, vector<16xf32>,
    tpu.vector_store %arg8[%swap3A_70], %broadcast_in_dim3A_3 {strides = array<i32>} : memref<1024xf32, #tpu.memory_space<vmem>>, vector<16xf32>,
    %swap3A_72 = arith.constant 512 : index
    %swap3A_73 = tpu.vector_load %arg8[%swap3A_72] {strides = array<i32>} : memref<1024xf32, #tpu.memory_space<vmem>>, vector<16xf32>,
    tpu.vector_store %arg8[%swap3A_72], %broadcast_in_dim3A_3 {strides = array<i32>} : memref<1024xf32, #tpu.memory_space<vmem>>, vector<16xf32>,
    %swap3A_74 = arith.constant 528 : index
    %swap3A_75 = tpu.vector_load %arg8[%swap3A_74] {strides = array<i32>} : memref<1024xf32, #tpu.memory_space<vmem>>, vector<16xf32>,
    tpu.vector_store %arg8[%swap3A_74], %broadcast_in_dim3A_3 {strides = array<i32>} : memref<1024xf32, #tpu.memory_space<vmem>>, vector<16xf32>,
    %swap3A_76 = arith.constant 544 : index
    %swap3A_77 = tpu.vector_load %arg8[%swap3A_76] {strides = array<i32>} : memref<1024xf32, #tpu.memory_space<vmem>>, vector<16xf32>,
    tpu.vector_store %arg8[%swap3A_76], %broadcast_in_dim3A_3 {strides = array<i32>} : memref<1024xf32, #tpu.memory_space<vmem>>, vector<16xf32>,
    %swap3A_78 = arith.constant 560 : index
    %swap3A_79 = tpu.vector_load %arg8[%swap3A_78] {strides = array<i32>} : memref<1024xf32, #tpu.memory_space<vmem>>, vector<16xf32>,
    tpu.vector_store %arg8[%swap3A_78], %broadcast_in_dim3A_3 {strides = array<i32>} : memref<1024xf32, #tpu.memory_space<vmem>>, vector<16xf32>,
    %swap3A_80 = arith.constant 576 : index
    %swap3A_81 = tpu.vector_load %arg8[%swap3A_80] {strides = array<i32>} : memref<1024xf32, #tpu.memory_space<vmem>>, vector<16xf32>,
    tpu.vector_store %arg8[%swap3A_80], %broadcast_in_dim3A_3 {strides = array<i32>} : memref<1024xf32, #tpu.memory_space<vmem>>, vector<16xf32>,
    %swap3A_82 = arith.constant 592 : index
    %swap3A_83 = tpu.vector_load %arg8[%swap3A_82] {strides = array<i32>} : memref<1024xf32, #tpu.memory_space<vmem>>, vector<16xf32>,
    tpu.vector_store %arg8[%swap3A_82], %broadcast_in_dim3A_3 {strides = array<i32>} : memref<1024xf32, #tpu.memory_space<vmem>>, vector<16xf32>,
    %swap3A_84 = arith.constant 608 : index
    %swap3A_85 = tpu.vector_load %arg8[%swap3A_84] {strides = array<i32>} : memref<1024xf32, #tpu.memory_space<vmem>>, vector<16xf32>,
    tpu.vector_store %arg8[%swap3A_84], %broadcast_in_dim3A_3 {strides = array<i32>} : memref<1024xf32, #tpu.memory_space<vmem>>, vector<16xf32>,
    %swap3A_86 = arith.constant 624 : index
    %swap3A_87 = tpu.vector_load %arg8[%swap3A_86] {strides = array<i32>} : memref<1024xf32, #tpu.memory_space<vmem>>, vector<16xf32>,
    tpu.vector_store %arg8[%swap3A_86], %broadcast_in_dim3A_3 {strides = array<i32>} : memref<1024xf32, #tpu.memory_space<vmem>>, vector<16xf32>,
    %swap3A_88 = arith.constant 640 : index
    %swap3A_89 = tpu.vector_load %arg8[%swap3A_88] {strides = array<i32>} : memref<1024xf32, #tpu.memory_space<vmem>>, vector<16xf32>,
    tpu.vector_store %arg8[%swap3A_88], %broadcast_in_dim3A_3 {strides = array<i32>} : memref<1024xf32, #tpu.memory_space<vmem>>, vector<16xf32>,
    %swap3A_90 = arith.constant 656 : index
    %swap3A_91 = tpu.vector_load %arg8[%swap3A_90] {strides = array<i32>} : memref<1024xf32, #tpu.memory_space<vmem>>, vector<16xf32>,
    tpu.vector_store %arg8[%swap3A_90], %broadcast_in_dim3A_3 {strides = array<i32>} : memref<1024xf32, #tpu.memory_space<vmem>>, vector<16xf32>,
    %swap3A_92 = arith.constant 672 : index
    %swap3A_93 = tpu.vector_load %arg8[%swap3A_92] {strides = array<i32>} : memref<1024xf32, #tpu.memory_space<vmem>>, vector<16xf32>,
    tpu.vector_store %arg8[%swap3A_92], %broadcast_in_dim3A_3 {strides = array<i32>} : memref<1024xf32, #tpu.memory_space<vmem>>, vector<16xf32>,
    %swap3A_94 = arith.constant 688 : index
    %swap3A_95 = tpu.vector_load %arg8[%swap3A_94] {strides = array<i32>} : memref<1024xf32, #tpu.memory_space<vmem>>, vector<16xf32>,
    tpu.vector_store %arg8[%swap3A_94], %broadcast_in_dim3A_3 {strides = array<i32>} : memref<1024xf32, #tpu.memory_space<vmem>>, vector<16xf32>,
    %swap3A_96 = arith.constant 704 : index
    %swap3A_97 = tpu.vector_load %arg8[%swap3A_96] {strides = array<i32>} : memref<1024xf32, #tpu.memory_space<vmem>>, vector<16xf32>,
    tpu.vector_store %arg8[%swap3A_96], %broadcast_in_dim3A_3 {strides = array<i32>} : memref<1024xf32, #tpu.memory_space<vmem>>, vector<16xf32>,
    %swap3A_98 = arith.constant 720 : index
    %swap3A_99 = tpu.vector_load %arg8[%swap3A_98] {strides = array<i32>} : memref<1024xf32, #tpu.memory_space<vmem>>, vector<16xf32>,
    tpu.vector_store %arg8[%swap3A_98], %broadcast_in_dim3A_3 {strides = array<i32>} : memref<1024xf32, #tpu.memory_space<vmem>>, vector<16xf32>,
    %swap3A_100 = arith.constant 736 : index
    %swap3A_101 = tpu.vector_load %arg8[%swap3A_100] {strides = array<i32>} : memref<1024xf32, #tpu.memory_space<vmem>>, vector<16xf32>,
    tpu.vector_store %arg8[%swap3A_100], %broadcast_in_dim3A_3 {strides = array<i32>} : memref<1024xf32, #tpu.memory_space<vmem>>, vector<16xf32>,
    %swap3A_102 = arith.constant 752 : index
    %swap3A_103 = tpu.vector_load %arg8[%swap3A_102] {strides = array<i32>} : memref<1024xf32, #tpu.memory_space<vmem>>, vector<16xf32>,
    tpu.vector_store %arg8[%swap3A_102], %broadcast_in_dim3A_3 {strides = array<i32>} : memref<1024xf32, #tpu.memory_space<vmem>>, vector<16xf32>,
    %swap3A_104 = arith.constant 768 : index
    %swap3A_105 = tpu.vector_load %arg8[%swap3A_104] {strides = array<i32>} : memref<1024xf32, #tpu.memory_space<vmem>>, vector<16xf32>,
    tpu.vector_store %arg8[%swap3A_104], %broadcast_in_dim3A_3 {strides = array<i32>} : memref<1024xf32, #tpu.memory_space<vmem>>, vector<16xf32>,
    %swap3A_106 = arith.constant 784 : index
    %swap3A_107 = tpu.vector_load %arg8[%swap3A_106] {strides = array<i32>} : memref<1024xf32, #tpu.memory_space<vmem>>, vector<16xf32>,
    tpu.vector_store %arg8[%swap3A_106], %broadcast_in_dim3A_3 {strides = array<i32>} : memref<1024xf32, #tpu.memory_space<vmem>>, vector<16xf32>,
    %swap3A_108 = arith.constant 800 : index
    %swap3A_109 = tpu.vector_load %arg8[%swap3A_108] {strides = array<i32>} : memref<1024xf32, #tpu.memory_space<vmem>>, vector<16xf32>,
    tpu.vector_store %arg8[%swap3A_108], %broadcast_in_dim3A_3 {strides = array<i32>} : memref<1024xf32, #tpu.memory_space<vmem>>, vector<16xf32>,
    %swap3A_110 = arith.constant 816 : index
    %swap3A_111 = tpu.vector_load %arg8[%swap3A_110] {strides = array<i32>} : memref<1024xf32, #tpu.memory_space<vmem>>, vector<16xf32>,
    tpu.vector_store %arg8[%swap3A_110], %broadcast_in_dim3A_3 {strides = array<i32>} : memref<1024xf32, #tpu.memory_space<vmem>>, vector<16xf32>,
    %swap3A_112 = arith.constant 832 : index
    %swap3A_113 = tpu.vector_load %arg8[%swap3A_112] {strides = array<i32>} : memref<1024xf32, #tpu.memory_space<vmem>>, vector<16xf32>,
    tpu.vector_store %arg8[%swap3A_112], %broadcast_in_dim3A_3 {strides = array<i32>} : memref<1024xf32, #tpu.memory_space<vmem>>, vector<16xf32>,
    %swap3A_114 = arith.constant 848 : index
    %swap3A_115 = tpu.vector_load %arg8[%swap3A_114] {strides = array<i32>} : memref<1024xf32, #tpu.memory_space<vmem>>, vector<16xf32>,
    tpu.vector_store %arg8[%swap3A_114], %broadcast_in_dim3A_3 {strides = array<i32>} : memref<1024xf32, #tpu.memory_space<vmem>>, vector<16xf32>,
    %swap3A_116 = arith.constant 864 : index
    %swap3A_117 = tpu.vector_load %arg8[%swap3A_116] {strides = array<i32>} : memref<1024xf32, #tpu.memory_space<vmem>>, vector<16xf32>,
    tpu.vector_store %arg8[%swap3A_116], %broadcast_in_dim3A_3 {strides = array<i32>} : memref<1024xf32, #tpu.memory_space<vmem>>, vector<16xf32>,
    %swap3A_118 = arith.constant 880 : index
    %swap3A_119 = tpu.vector_load %arg8[%swap3A_118] {strides = array<i32>} : memref<1024xf32, #tpu.memory_space<vmem>>, vector<16xf32>,
    tpu.vector_store %arg8[%swap3A_118], %broadcast_in_dim3A_3 {strides = array<i32>} : memref<1024xf32, #tpu.memory_space<vmem>>, vector<16xf32>,
    %swap3A_120 = arith.constant 896 : index
    %swap3A_121 = tpu.vector_load %arg8[%swap3A_120] {strides = array<i32>} : memref<1024xf32, #tpu.memory_space<vmem>>, vector<16xf32>,
    tpu.vector_store %arg8[%swap3A_120], %broadcast_in_dim3A_3 {strides = array<i32>} : memref<1024xf32, #tpu.memory_space<vmem>>, vector<16xf32>,
    %swap3A_122 = arith.constant 912 : index
    %swap3A_123 = tpu.vector_load %arg8[%swap3A_122] {strides = array<i32>} : memref<1024xf32, #tpu.memory_space<vmem>>, vector<16xf32>,
    tpu.vector_store %arg8[%swap3A_122], %broadcast_in_dim3A_3 {strides = array<i32>} : memref<1024xf32, #tpu.memory_space<vmem>>, vector<16xf32>,
    %swap3A_124 = arith.constant 928 : index
    %swap3A_125 = tpu.vector_load %arg8[%swap3A_124] {strides = array<i32>} : memref<1024xf32, #tpu.memory_space<vmem>>, vector<16xf32>,
    tpu.vector_store %arg8[%swap3A_124], %broadcast_in_dim3A_3 {strides = array<i32>} : memref<1024xf32, #tpu.memory_space<vmem>>, vector<16xf32>,
    %swap3A_126 = arith.constant 944 : index
    %swap3A_127 = tpu.vector_load %arg8[%swap3A_126] {strides = array<i32>} : memref<1024xf32, #tpu.memory_space<vmem>>, vector<16xf32>,
    tpu.vector_store %arg8[%swap3A_126], %broadcast_in_dim3A_3 {strides = array<i32>} : memref<1024xf32, #tpu.memory_space<vmem>>, vector<16xf32>,
    %swap3A_128 = arith.constant 960 : index
    %swap3A_129 = tpu.vector_load %arg8[%swap3A_128] {strides = array<i32>} : memref<1024xf32, #tpu.memory_space<vmem>>, vector<16xf32>,
    tpu.vector_store %arg8[%swap3A_128], %broadcast_in_dim3A_3 {strides = array<i32>} : memref<1024xf32, #tpu.memory_space<vmem>>, vector<16xf32>,
    %swap3A_130 = arith.constant 976 : index
    %swap3A_131 = tpu.vector_load %arg8[%swap3A_130] {strides = array<i32>} : memref<1024xf32, #tpu.memory_space<vmem>>, vector<16xf32>,
    tpu.vector_store %arg8[%swap3A_130], %broadcast_in_dim3A_3 {strides = array<i32>} : memref<1024xf32, #tpu.memory_space<vmem>>, vector<16xf32>,
    %swap3A_132 = arith.constant 992 : index
    %swap3A_133 = tpu.vector_load %arg8[%swap3A_132] {strides = array<i32>} : memref<1024xf32, #tpu.memory_space<vmem>>, vector<16xf32>,
    tpu.vector_store %arg8[%swap3A_132], %broadcast_in_dim3A_3 {strides = array<i32>} : memref<1024xf32, #tpu.memory_space<vmem>>, vector<16xf32>,
    %swap3A_134 = arith.constant 1008 : index
    %swap3A_135 = tpu.vector_load %arg8[%swap3A_134] {strides = array<i32>} : memref<1024xf32, #tpu.memory_space<vmem>>, vector<16xf32>,
    tpu.vector_store %arg8[%swap3A_134], %broadcast_in_dim3A_3 {strides = array<i32>} : memref<1024xf32, #tpu.memory_space<vmem>>, vector<16xf32>,
    %iota3A_136 = tpu.iota {dimensions = array<i32: 0>} : vector<16xi32>
    %mul3A_137 = arith.constant 16 : i32
    %mul3A_138 = vector.broadcast %mul3A_137 : i32 to vector<16xi32>
    %mul3A_139 = arith.muli %iota3A_136, %mul3A_138 : vector<16xi32>
    %scan3A = arith.constant 0 : i32
    %scan3A_140 = arith.constant 0 : i32
    %scan3A_141 = arith.constant 32 : i32
    %scan3A_142 = arith.addi %scan3A_140, %scan3A_141 : i32
    %scan3A_143 = arith.constant 1 : i32
    scf.for %scan3A_155 = %scan3A_140 to %scan3A_142 step %scan3A_143  : i32 {
      %mul3A_156 = arith.constant 32768 : i32
      %mul3A_157 = arith.muli %scan3A_155, %mul3A_156 : i32
      %add3A_158 = arith.addi %mul3A_2, %mul3A_157 : i32
      "tpu.region"() ({
        %run_scoped3A = tpu.sem_alloc : memref<!tpu.dma_semaphore, #tpu.memory_space<semaphore_mem>>
        %dma_start3A = tpu.memref_slice %arg2[%add3A_158] : memref<33554432xi32, #tpu.memory_space<hbm>> -> memref<32768xi32, #tpu.memory_space<hbm>>
        %dma_start3A_283 = tpu.memref_slice %arg2[%add3A_158] : memref<33554432xi32, #tpu.memory_space<hbm>> -> memref<32768xi32, #tpu.memory_space<hbm>>
        tpu.enqueue_dma source(%dma_start3A_283 : memref<32768xi32, #tpu.memory_space<hbm>>) target(%arg7 : memref<32768xi32, #tpu.memory_space<vmem>>) target_semaphore(%run_scoped3A : memref<!tpu.dma_semaphore, #tpu.memory_space<semaphore_mem>>)
        %dma_wait3A = tpu.memref_slice %arg2[%add3A_158] : memref<33554432xi32, #tpu.memory_space<hbm>> -> memref<32768xi32, #tpu.memory_space<hbm>>
        %dma_wait3A_284 = tpu.memref_slice %arg2[%add3A_158] : memref<33554432xi32, #tpu.memory_space<hbm>> -> memref<32768xi32, #tpu.memory_space<hbm>>
        tpu.wait_dma2 semaphore(%run_scoped3A : memref<!tpu.dma_semaphore, #tpu.memory_space<semaphore_mem>>) src(%dma_wait3A_284 : memref<32768xi32, #tpu.memory_space<hbm>>) dst(%arg7 : memref<32768xi32, #tpu.memory_space<vmem>>)
        tpu.yield
      }) : () -> ()
      %scan3A_159 = arith.constant 0 : i32
      %scan3A_160 = arith.constant 16 : i32
      %scan3A_161 = arith.addi %scan3A_159, %scan3A_160 : i32
      %scan3A_162 = arith.constant 1 : i32
      scf.for %scan3A_283 = %scan3A_159 to %scan3A_161 step %scan3A_162  : i32 {
        %mul3A_284 = arith.constant 2048 : i32
        %mul3A_285 = arith.muli %scan3A_283, %mul3A_284 : i32
        %scan3A_286 = arith.constant 0 : i32
        %scan3A_287 = arith.constant 0 : i32
        %scan3A_288 = arith.constant 16 : i32
        %scan3A_289 = arith.addi %scan3A_287, %scan3A_288 : i32
        %scan3A_290 = arith.constant 1 : i32
        scf.for %scan3A_651 = %scan3A_287 to %scan3A_289 step %scan3A_290  : i32 {
          %mul3A_652 = arith.constant 128 : i32
          %mul3A_653 = arith.muli %scan3A_651, %mul3A_652 : i32
          %add3A_654 = arith.addi %mul3A_285, %mul3A_653 : i32
          %add3A_655 = arith.constant 0 : i32
          %add3A_656 = arith.addi %add3A_654, %add3A_655 : i32
          %get3A_657 = arith.index_cast %add3A_656 : i32 to index
          %get3A_658 = tpu.vector_load %arg7[%get3A_657] {strides = array<i32>} : memref<32768xi32, #tpu.memory_space<vmem>>, vector<16xi32>,
          %add3A_659 = arith.addi %mul3A_8, %get3A_658 : vector<16xi32>
          tpu.vector_store_idx %arg8[%add3A_659], %broadcast_in_dim3A_5 {add = true} : memref<1024xf32, #tpu.memory_space<vmem>>[vector<16xi32>], vector<16xf32>,
          %add3A_660 = arith.constant 16 : i32
          %add3A_661 = arith.addi %add3A_654, %add3A_660 : i32
          %get3A_662 = arith.index_cast %add3A_661 : i32 to index
          %get3A_663 = tpu.vector_load %arg7[%get3A_662] {strides = array<i32>} : memref<32768xi32, #tpu.memory_space<vmem>>, vector<16xi32>,
          %add3A_664 = arith.addi %mul3A_8, %get3A_663 : vector<16xi32>
          tpu.vector_store_idx %arg8[%add3A_664], %broadcast_in_dim3A_5 {add = true} : memref<1024xf32, #tpu.memory_space<vmem>>[vector<16xi32>], vector<16xf32>,
          %add3A_665 = arith.constant 32 : i32
          %add3A_666 = arith.addi %add3A_654, %add3A_665 : i32
          %get3A_667 = arith.index_cast %add3A_666 : i32 to index
          %get3A_668 = tpu.vector_load %arg7[%get3A_667] {strides = array<i32>} : memref<32768xi32, #tpu.memory_space<vmem>>, vector<16xi32>,
          %add3A_669 = arith.addi %mul3A_8, %get3A_668 : vector<16xi32>
          tpu.vector_store_idx %arg8[%add3A_669], %broadcast_in_dim3A_5 {add = true} : memref<1024xf32, #tpu.memory_space<vmem>>[vector<16xi32>], vector<16xf32>,
          %add3A_670 = arith.constant 48 : i32
          %add3A_671 = arith.addi %add3A_654, %add3A_670 : i32
          %get3A_672 = arith.index_cast %add3A_671 : i32 to index
          %get3A_673 = tpu.vector_load %arg7[%get3A_672] {strides = array<i32>} : memref<32768xi32, #tpu.memory_space<vmem>>, vector<16xi32>,
          %add3A_674 = arith.addi %mul3A_8, %get3A_673 : vector<16xi32>
          tpu.vector_store_idx %arg8[%add3A_674], %broadcast_in_dim3A_5 {add = true} : memref<1024xf32, #tpu.memory_space<vmem>>[vector<16xi32>], vector<16xf32>,
          %add3A_675 = arith.constant 64 : i32
          %add3A_676 = arith.addi %add3A_654, %add3A_675 : i32
          %get3A_677 = arith.index_cast %add3A_676 : i32 to index
          %get3A_678 = tpu.vector_load %arg7[%get3A_677] {strides = array<i32>} : memref<32768xi32, #tpu.memory_space<vmem>>, vector<16xi32>,
          %add3A_679 = arith.addi %mul3A_8, %get3A_678 : vector<16xi32>
          tpu.vector_store_idx %arg8[%add3A_679], %broadcast_in_dim3A_5 {add = true} : memref<1024xf32, #tpu.memory_space<vmem>>[vector<16xi32>], vector<16xf32>,
          %add3A_680 = arith.constant 80 : i32
          %add3A_681 = arith.addi %add3A_654, %add3A_680 : i32
          %get3A_682 = arith.index_cast %add3A_681 : i32 to index
          %get3A_683 = tpu.vector_load %arg7[%get3A_682] {strides = array<i32>} : memref<32768xi32, #tpu.memory_space<vmem>>, vector<16xi32>,
          %add3A_684 = arith.addi %mul3A_8, %get3A_683 : vector<16xi32>
          tpu.vector_store_idx %arg8[%add3A_684], %broadcast_in_dim3A_5 {add = true} : memref<1024xf32, #tpu.memory_space<vmem>>[vector<16xi32>], vector<16xf32>,
          %add3A_685 = arith.constant 96 : i32
          %add3A_686 = arith.addi %add3A_654, %add3A_685 : i32
          %get3A_687 = arith.index_cast %add3A_686 : i32 to index
          %get3A_688 = tpu.vector_load %arg7[%get3A_687] {strides = array<i32>} : memref<32768xi32, #tpu.memory_space<vmem>>, vector<16xi32>,
          %add3A_689 = arith.addi %mul3A_8, %get3A_688 : vector<16xi32>
          tpu.vector_store_idx %arg8[%add3A_689], %broadcast_in_dim3A_5 {add = true} : memref<1024xf32, #tpu.memory_space<vmem>>[vector<16xi32>], vector<16xf32>,
          %add3A_690 = arith.constant 112 : i32
          %add3A_691 = arith.addi %add3A_654, %add3A_690 : i32
          %get3A_692 = arith.index_cast %add3A_691 : i32 to index
          %get3A_693 = tpu.vector_load %arg7[%get3A_692] {strides = array<i32>} : memref<32768xi32, #tpu.memory_space<vmem>>, vector<16xi32>,
          %add3A_694 = arith.addi %mul3A_8, %get3A_693 : vector<16xi32>
          tpu.vector_store_idx %arg8[%add3A_694], %broadcast_in_dim3A_5 {add = true} : memref<1024xf32, #tpu.memory_space<vmem>>[vector<16xi32>], vector<16xf32>,
        }
        %scan3A_291 = arith.constant 16 : i32
        %get3A = arith.constant 0 : index
        %get3A_292 = tpu.vector_load %arg8[%get3A] {strides = array<i32>} : memref<1024xf32, #tpu.memory_space<vmem>>, vector<16xf32>,
        %add3A_293 = arith.addf %broadcast_in_dim3A_3, %get3A_292 : vector<16xf32>
        %swap3A_294 = arith.constant 0 : index
        %swap3A_295 = tpu.vector_load %arg8[%swap3A_294] {strides = array<i32>} : memref<1024xf32, #tpu.memory_space<vmem>>, vector<16xf32>,
        tpu.vector_store %arg8[%swap3A_294], %broadcast_in_dim3A_3 {strides = array<i32>} : memref<1024xf32, #tpu.memory_space<vmem>>, vector<16xf32>,
        %get3A_296 = arith.constant 16 : index
        %get3A_297 = tpu.vector_load %arg8[%get3A_296] {strides = array<i32>} : memref<1024xf32, #tpu.memory_space<vmem>>, vector<16xf32>,
        %add3A_298 = arith.addf %broadcast_in_dim3A_3, %get3A_297 : vector<16xf32>
        %swap3A_299 = arith.constant 16 : index
        %swap3A_300 = tpu.vector_load %arg8[%swap3A_299] {strides = array<i32>} : memref<1024xf32, #tpu.memory_space<vmem>>, vector<16xf32>,
        tpu.vector_store %arg8[%swap3A_299], %broadcast_in_dim3A_3 {strides = array<i32>} : memref<1024xf32, #tpu.memory_space<vmem>>, vector<16xf32>,
        %get3A_301 = arith.constant 32 : index
        %get3A_302 = tpu.vector_load %arg8[%get3A_301] {strides = array<i32>} : memref<1024xf32, #tpu.memory_space<vmem>>, vector<16xf32>,
        %add3A_303 = arith.addf %broadcast_in_dim3A_3, %get3A_302 : vector<16xf32>
        %swap3A_304 = arith.constant 32 : index
        %swap3A_305 = tpu.vector_load %arg8[%swap3A_304] {strides = array<i32>} : memref<1024xf32, #tpu.memory_space<vmem>>, vector<16xf32>,
        tpu.vector_store %arg8[%swap3A_304], %broadcast_in_dim3A_3 {strides = array<i32>} : memref<1024xf32, #tpu.memory_space<vmem>>, vector<16xf32>,
        %get3A_306 = arith.constant 48 : index
        %get3A_307 = tpu.vector_load %arg8[%get3A_306] {strides = array<i32>} : memref<1024xf32, #tpu.memory_space<vmem>>, vector<16xf32>,
        %add3A_308 = arith.addf %broadcast_in_dim3A_3, %get3A_307 : vector<16xf32>
        %swap3A_309 = arith.constant 48 : index
        %swap3A_310 = tpu.vector_load %arg8[%swap3A_309] {strides = array<i32>} : memref<1024xf32, #tpu.memory_space<vmem>>, vector<16xf32>,
        tpu.vector_store %arg8[%swap3A_309], %broadcast_in_dim3A_3 {strides = array<i32>} : memref<1024xf32, #tpu.memory_space<vmem>>, vector<16xf32>,
        %get3A_311 = arith.constant 64 : index
        %get3A_312 = tpu.vector_load %arg8[%get3A_311] {strides = array<i32>} : memref<1024xf32, #tpu.memory_space<vmem>>, vector<16xf32>,
        %add3A_313 = arith.addf %add3A_293, %get3A_312 : vector<16xf32>
        %swap3A_314 = arith.constant 64 : index
        %swap3A_315 = tpu.vector_load %arg8[%swap3A_314] {strides = array<i32>} : memref<1024xf32, #tpu.memory_space<vmem>>, vector<16xf32>,
        tpu.vector_store %arg8[%swap3A_314], %broadcast_in_dim3A_3 {strides = array<i32>} : memref<1024xf32, #tpu.memory_space<vmem>>, vector<16xf32>,
        %get3A_316 = arith.constant 80 : index
        %get3A_317 = tpu.vector_load %arg8[%get3A_316] {strides = array<i32>} : memref<1024xf32, #tpu.memory_space<vmem>>, vector<16xf32>,
        %add3A_318 = arith.addf %add3A_298, %get3A_317 : vector<16xf32>
        %swap3A_319 = arith.constant 80 : index
        %swap3A_320 = tpu.vector_load %arg8[%swap3A_319] {strides = array<i32>} : memref<1024xf32, #tpu.memory_space<vmem>>, vector<16xf32>,
        tpu.vector_store %arg8[%swap3A_319], %broadcast_in_dim3A_3 {strides = array<i32>} : memref<1024xf32, #tpu.memory_space<vmem>>, vector<16xf32>,
        %get3A_321 = arith.constant 96 : index
        %get3A_322 = tpu.vector_load %arg8[%get3A_321] {strides = array<i32>} : memref<1024xf32, #tpu.memory_space<vmem>>, vector<16xf32>,
        %add3A_323 = arith.addf %add3A_303, %get3A_322 : vector<16xf32>
        %swap3A_324 = arith.constant 96 : index
        %swap3A_325 = tpu.vector_load %arg8[%swap3A_324] {strides = array<i32>} : memref<1024xf32, #tpu.memory_space<vmem>>, vector<16xf32>,
        tpu.vector_store %arg8[%swap3A_324], %broadcast_in_dim3A_3 {strides = array<i32>} : memref<1024xf32, #tpu.memory_space<vmem>>, vector<16xf32>,
        %get3A_326 = arith.constant 112 : index
        %get3A_327 = tpu.vector_load %arg8[%get3A_326] {strides = array<i32>} : memref<1024xf32, #tpu.memory_space<vmem>>, vector<16xf32>,
        %add3A_328 = arith.addf %add3A_308, %get3A_327 : vector<16xf32>
        %swap3A_329 = arith.constant 112 : index
        %swap3A_330 = tpu.vector_load %arg8[%swap3A_329] {strides = array<i32>} : memref<1024xf32, #tpu.memory_space<vmem>>, vector<16xf32>,
        tpu.vector_store %arg8[%swap3A_329], %broadcast_in_dim3A_3 {strides = array<i32>} : memref<1024xf32, #tpu.memory_space<vmem>>, vector<16xf32>,
        %get3A_331 = arith.constant 128 : index
        %get3A_332 = tpu.vector_load %arg8[%get3A_331] {strides = array<i32>} : memref<1024xf32, #tpu.memory_space<vmem>>, vector<16xf32>,
        %add3A_333 = arith.addf %add3A_313, %get3A_332 : vector<16xf32>
        %swap3A_334 = arith.constant 128 : index
        %swap3A_335 = tpu.vector_load %arg8[%swap3A_334] {strides = array<i32>} : memref<1024xf32, #tpu.memory_space<vmem>>, vector<16xf32>,
        tpu.vector_store %arg8[%swap3A_334], %broadcast_in_dim3A_3 {strides = array<i32>} : memref<1024xf32, #tpu.memory_space<vmem>>, vector<16xf32>,
        %get3A_336 = arith.constant 144 : index
        %get3A_337 = tpu.vector_load %arg8[%get3A_336] {strides = array<i32>} : memref<1024xf32, #tpu.memory_space<vmem>>, vector<16xf32>,
        %add3A_338 = arith.addf %add3A_318, %get3A_337 : vector<16xf32>
        %swap3A_339 = arith.constant 144 : index
        %swap3A_340 = tpu.vector_load %arg8[%swap3A_339] {strides = array<i32>} : memref<1024xf32, #tpu.memory_space<vmem>>, vector<16xf32>,
        tpu.vector_store %arg8[%swap3A_339], %broadcast_in_dim3A_3 {strides = array<i32>} : memref<1024xf32, #tpu.memory_space<vmem>>, vector<16xf32>,
        %get3A_341 = arith.constant 160 : index
        %get3A_342 = tpu.vector_load %arg8[%get3A_341] {strides = array<i32>} : memref<1024xf32, #tpu.memory_space<vmem>>, vector<16xf32>,
        %add3A_343 = arith.addf %add3A_323, %get3A_342 : vector<16xf32>
        %swap3A_344 = arith.constant 160 : index
        %swap3A_345 = tpu.vector_load %arg8[%swap3A_344] {strides = array<i32>} : memref<1024xf32, #tpu.memory_space<vmem>>, vector<16xf32>,
        tpu.vector_store %arg8[%swap3A_344], %broadcast_in_dim3A_3 {strides = array<i32>} : memref<1024xf32, #tpu.memory_space<vmem>>, vector<16xf32>,
        %get3A_346 = arith.constant 176 : index
        %get3A_347 = tpu.vector_load %arg8[%get3A_346] {strides = array<i32>} : memref<1024xf32, #tpu.memory_space<vmem>>, vector<16xf32>,
        %add3A_348 = arith.addf %add3A_328, %get3A_347 : vector<16xf32>
        %swap3A_349 = arith.constant 176 : index
        %swap3A_350 = tpu.vector_load %arg8[%swap3A_349] {strides = array<i32>} : memref<1024xf32, #tpu.memory_space<vmem>>, vector<16xf32>,
        tpu.vector_store %arg8[%swap3A_349], %broadcast_in_dim3A_3 {strides = array<i32>} : memref<1024xf32, #tpu.memory_space<vmem>>, vector<16xf32>,
        %get3A_351 = arith.constant 192 : index
        %get3A_352 = tpu.vector_load %arg8[%get3A_351] {strides = array<i32>} : memref<1024xf32, #tpu.memory_space<vmem>>, vector<16xf32>,
        %add3A_353 = arith.addf %add3A_333, %get3A_352 : vector<16xf32>
        %swap3A_354 = arith.constant 192 : index
        %swap3A_355 = tpu.vector_load %arg8[%swap3A_354] {strides = array<i32>} : memref<1024xf32, #tpu.memory_space<vmem>>, vector<16xf32>,
        tpu.vector_store %arg8[%swap3A_354], %broadcast_in_dim3A_3 {strides = array<i32>} : memref<1024xf32, #tpu.memory_space<vmem>>, vector<16xf32>,
        %get3A_356 = arith.constant 208 : index
        %get3A_357 = tpu.vector_load %arg8[%get3A_356] {strides = array<i32>} : memref<1024xf32, #tpu.memory_space<vmem>>, vector<16xf32>,
        %add3A_358 = arith.addf %add3A_338, %get3A_357 : vector<16xf32>
        %swap3A_359 = arith.constant 208 : index
        %swap3A_360 = tpu.vector_load %arg8[%swap3A_359] {strides = array<i32>} : memref<1024xf32, #tpu.memory_space<vmem>>, vector<16xf32>,
        tpu.vector_store %arg8[%swap3A_359], %broadcast_in_dim3A_3 {strides = array<i32>} : memref<1024xf32, #tpu.memory_space<vmem>>, vector<16xf32>,
        %get3A_361 = arith.constant 224 : index
        %get3A_362 = tpu.vector_load %arg8[%get3A_361] {strides = array<i32>} : memref<1024xf32, #tpu.memory_space<vmem>>, vector<16xf32>,
        %add3A_363 = arith.addf %add3A_343, %get3A_362 : vector<16xf32>
        %swap3A_364 = arith.constant 224 : index
        %swap3A_365 = tpu.vector_load %arg8[%swap3A_364] {strides = array<i32>} : memref<1024xf32, #tpu.memory_space<vmem>>, vector<16xf32>,
        tpu.vector_store %arg8[%swap3A_364], %broadcast_in_dim3A_3 {strides = array<i32>} : memref<1024xf32, #tpu.memory_space<vmem>>, vector<16xf32>,
        %get3A_366 = arith.constant 240 : index
        %get3A_367 = tpu.vector_load %arg8[%get3A_366] {strides = array<i32>} : memref<1024xf32, #tpu.memory_space<vmem>>, vector<16xf32>,
        %add3A_368 = arith.addf %add3A_348, %get3A_367 : vector<16xf32>
        %swap3A_369 = arith.constant 240 : index
        %swap3A_370 = tpu.vector_load %arg8[%swap3A_369] {strides = array<i32>} : memref<1024xf32, #tpu.memory_space<vmem>>, vector<16xf32>,
        tpu.vector_store %arg8[%swap3A_369], %broadcast_in_dim3A_3 {strides = array<i32>} : memref<1024xf32, #tpu.memory_space<vmem>>, vector<16xf32>,
        %get3A_371 = arith.constant 256 : index
        %get3A_372 = tpu.vector_load %arg8[%get3A_371] {strides = array<i32>} : memref<1024xf32, #tpu.memory_space<vmem>>, vector<16xf32>,
        %add3A_373 = arith.addf %add3A_353, %get3A_372 : vector<16xf32>
        %swap3A_374 = arith.constant 256 : index
        %swap3A_375 = tpu.vector_load %arg8[%swap3A_374] {strides = array<i32>} : memref<1024xf32, #tpu.memory_space<vmem>>, vector<16xf32>,
        tpu.vector_store %arg8[%swap3A_374], %broadcast_in_dim3A_3 {strides = array<i32>} : memref<1024xf32, #tpu.memory_space<vmem>>, vector<16xf32>,
        %get3A_376 = arith.constant 272 : index
        %get3A_377 = tpu.vector_load %arg8[%get3A_376] {strides = array<i32>} : memref<1024xf32, #tpu.memory_space<vmem>>, vector<16xf32>,
        %add3A_378 = arith.addf %add3A_358, %get3A_377 : vector<16xf32>
        %swap3A_379 = arith.constant 272 : index
        %swap3A_380 = tpu.vector_load %arg8[%swap3A_379] {strides = array<i32>} : memref<1024xf32, #tpu.memory_space<vmem>>, vector<16xf32>,
        tpu.vector_store %arg8[%swap3A_379], %broadcast_in_dim3A_3 {strides = array<i32>} : memref<1024xf32, #tpu.memory_space<vmem>>, vector<16xf32>,
        %get3A_381 = arith.constant 288 : index
        %get3A_382 = tpu.vector_load %arg8[%get3A_381] {strides = array<i32>} : memref<1024xf32, #tpu.memory_space<vmem>>, vector<16xf32>,
        %add3A_383 = arith.addf %add3A_363, %get3A_382 : vector<16xf32>
        %swap3A_384 = arith.constant 288 : index
        %swap3A_385 = tpu.vector_load %arg8[%swap3A_384] {strides = array<i32>} : memref<1024xf32, #tpu.memory_space<vmem>>, vector<16xf32>,
        tpu.vector_store %arg8[%swap3A_384], %broadcast_in_dim3A_3 {strides = array<i32>} : memref<1024xf32, #tpu.memory_space<vmem>>, vector<16xf32>,
        %get3A_386 = arith.constant 304 : index
        %get3A_387 = tpu.vector_load %arg8[%get3A_386] {strides = array<i32>} : memref<1024xf32, #tpu.memory_space<vmem>>, vector<16xf32>,
        %add3A_388 = arith.addf %add3A_368, %get3A_387 : vector<16xf32>
        %swap3A_389 = arith.constant 304 : index
        %swap3A_390 = tpu.vector_load %arg8[%swap3A_389] {strides = array<i32>} : memref<1024xf32, #tpu.memory_space<vmem>>, vector<16xf32>,
        tpu.vector_store %arg8[%swap3A_389], %broadcast_in_dim3A_3 {strides = array<i32>} : memref<1024xf32, #tpu.memory_space<vmem>>, vector<16xf32>,
        %get3A_391 = arith.constant 320 : index
        %get3A_392 = tpu.vector_load %arg8[%get3A_391] {strides = array<i32>} : memref<1024xf32, #tpu.memory_space<vmem>>, vector<16xf32>,
        %add3A_393 = arith.addf %add3A_373, %get3A_392 : vector<16xf32>
        %swap3A_394 = arith.constant 320 : index
        %swap3A_395 = tpu.vector_load %arg8[%swap3A_394] {strides = array<i32>} : memref<1024xf32, #tpu.memory_space<vmem>>, vector<16xf32>,
        tpu.vector_store %arg8[%swap3A_394], %broadcast_in_dim3A_3 {strides = array<i32>} : memref<1024xf32, #tpu.memory_space<vmem>>, vector<16xf32>,
        %get3A_396 = arith.constant 336 : index
        %get3A_397 = tpu.vector_load %arg8[%get3A_396] {strides = array<i32>} : memref<1024xf32, #tpu.memory_space<vmem>>, vector<16xf32>,
        %add3A_398 = arith.addf %add3A_378, %get3A_397 : vector<16xf32>
        %swap3A_399 = arith.constant 336 : index
        %swap3A_400 = tpu.vector_load %arg8[%swap3A_399] {strides = array<i32>} : memref<1024xf32, #tpu.memory_space<vmem>>, vector<16xf32>,
        tpu.vector_store %arg8[%swap3A_399], %broadcast_in_dim3A_3 {strides = array<i32>} : memref<1024xf32, #tpu.memory_space<vmem>>, vector<16xf32>,
        %get3A_401 = arith.constant 352 : index
        %get3A_402 = tpu.vector_load %arg8[%get3A_401] {strides = array<i32>} : memref<1024xf32, #tpu.memory_space<vmem>>, vector<16xf32>,
        %add3A_403 = arith.addf %add3A_383, %get3A_402 : vector<16xf32>
        %swap3A_404 = arith.constant 352 : index
        %swap3A_405 = tpu.vector_load %arg8[%swap3A_404] {strides = array<i32>} : memref<1024xf32, #tpu.memory_space<vmem>>, vector<16xf32>,
        tpu.vector_store %arg8[%swap3A_404], %broadcast_in_dim3A_3 {strides = array<i32>} : memref<1024xf32, #tpu.memory_space<vmem>>, vector<16xf32>,
        %get3A_406 = arith.constant 368 : index
        %get3A_407 = tpu.vector_load %arg8[%get3A_406] {strides = array<i32>} : memref<1024xf32, #tpu.memory_space<vmem>>, vector<16xf32>,
        %add3A_408 = arith.addf %add3A_388, %get3A_407 : vector<16xf32>
        %swap3A_409 = arith.constant 368 : index
        %swap3A_410 = tpu.vector_load %arg8[%swap3A_409] {strides = array<i32>} : memref<1024xf32, #tpu.memory_space<vmem>>, vector<16xf32>,
        tpu.vector_store %arg8[%swap3A_409], %broadcast_in_dim3A_3 {strides = array<i32>} : memref<1024xf32, #tpu.memory_space<vmem>>, vector<16xf32>,
        %get3A_411 = arith.constant 384 : index
        %get3A_412 = tpu.vector_load %arg8[%get3A_411] {strides = array<i32>} : memref<1024xf32, #tpu.memory_space<vmem>>, vector<16xf32>,
        %add3A_413 = arith.addf %add3A_393, %get3A_412 : vector<16xf32>
        %swap3A_414 = arith.constant 384 : index
        %swap3A_415 = tpu.vector_load %arg8[%swap3A_414] {strides = array<i32>} : memref<1024xf32, #tpu.memory_space<vmem>>, vector<16xf32>,
        tpu.vector_store %arg8[%swap3A_414], %broadcast_in_dim3A_3 {strides = array<i32>} : memref<1024xf32, #tpu.memory_space<vmem>>, vector<16xf32>,
        %get3A_416 = arith.constant 400 : index
        %get3A_417 = tpu.vector_load %arg8[%get3A_416] {strides = array<i32>} : memref<1024xf32, #tpu.memory_space<vmem>>, vector<16xf32>,
        %add3A_418 = arith.addf %add3A_398, %get3A_417 : vector<16xf32>
        %swap3A_419 = arith.constant 400 : index
        %swap3A_420 = tpu.vector_load %arg8[%swap3A_419] {strides = array<i32>} : memref<1024xf32, #tpu.memory_space<vmem>>, vector<16xf32>,
        tpu.vector_store %arg8[%swap3A_419], %broadcast_in_dim3A_3 {strides = array<i32>} : memref<1024xf32, #tpu.memory_space<vmem>>, vector<16xf32>,
        %get3A_421 = arith.constant 416 : index
        %get3A_422 = tpu.vector_load %arg8[%get3A_421] {strides = array<i32>} : memref<1024xf32, #tpu.memory_space<vmem>>, vector<16xf32>,
        %add3A_423 = arith.addf %add3A_403, %get3A_422 : vector<16xf32>
        %swap3A_424 = arith.constant 416 : index
        %swap3A_425 = tpu.vector_load %arg8[%swap3A_424] {strides = array<i32>} : memref<1024xf32, #tpu.memory_space<vmem>>, vector<16xf32>,
        tpu.vector_store %arg8[%swap3A_424], %broadcast_in_dim3A_3 {strides = array<i32>} : memref<1024xf32, #tpu.memory_space<vmem>>, vector<16xf32>,
        %get3A_426 = arith.constant 432 : index
        %get3A_427 = tpu.vector_load %arg8[%get3A_426] {strides = array<i32>} : memref<1024xf32, #tpu.memory_space<vmem>>, vector<16xf32>,
        %add3A_428 = arith.addf %add3A_408, %get3A_427 : vector<16xf32>
        %swap3A_429 = arith.constant 432 : index
        %swap3A_430 = tpu.vector_load %arg8[%swap3A_429] {strides = array<i32>} : memref<1024xf32, #tpu.memory_space<vmem>>, vector<16xf32>,
        tpu.vector_store %arg8[%swap3A_429], %broadcast_in_dim3A_3 {strides = array<i32>} : memref<1024xf32, #tpu.memory_space<vmem>>, vector<16xf32>,
        %get3A_431 = arith.constant 448 : index
        %get3A_432 = tpu.vector_load %arg8[%get3A_431] {strides = array<i32>} : memref<1024xf32, #tpu.memory_space<vmem>>, vector<16xf32>,
        %add3A_433 = arith.addf %add3A_413, %get3A_432 : vector<16xf32>
        %swap3A_434 = arith.constant 448 : index
        %swap3A_435 = tpu.vector_load %arg8[%swap3A_434] {strides = array<i32>} : memref<1024xf32, #tpu.memory_space<vmem>>, vector<16xf32>,
        tpu.vector_store %arg8[%swap3A_434], %broadcast_in_dim3A_3 {strides = array<i32>} : memref<1024xf32, #tpu.memory_space<vmem>>, vector<16xf32>,
        %get3A_436 = arith.constant 464 : index
        %get3A_437 = tpu.vector_load %arg8[%get3A_436] {strides = array<i32>} : memref<1024xf32, #tpu.memory_space<vmem>>, vector<16xf32>,
        %add3A_438 = arith.addf %add3A_418, %get3A_437 : vector<16xf32>
        %swap3A_439 = arith.constant 464 : index
        %swap3A_440 = tpu.vector_load %arg8[%swap3A_439] {strides = array<i32>} : memref<1024xf32, #tpu.memory_space<vmem>>, vector<16xf32>,
        tpu.vector_store %arg8[%swap3A_439], %broadcast_in_dim3A_3 {strides = array<i32>} : memref<1024xf32, #tpu.memory_space<vmem>>, vector<16xf32>,
        %get3A_441 = arith.constant 480 : index
        %get3A_442 = tpu.vector_load %arg8[%get3A_441] {strides = array<i32>} : memref<1024xf32, #tpu.memory_space<vmem>>, vector<16xf32>,
        %add3A_443 = arith.addf %add3A_423, %get3A_442 : vector<16xf32>
        %swap3A_444 = arith.constant 480 : index
        %swap3A_445 = tpu.vector_load %arg8[%swap3A_444] {strides = array<i32>} : memref<1024xf32, #tpu.memory_space<vmem>>, vector<16xf32>,
        tpu.vector_store %arg8[%swap3A_444], %broadcast_in_dim3A_3 {strides = array<i32>} : memref<1024xf32, #tpu.memory_space<vmem>>, vector<16xf32>,
        %get3A_446 = arith.constant 496 : index
        %get3A_447 = tpu.vector_load %arg8[%get3A_446] {strides = array<i32>} : memref<1024xf32, #tpu.memory_space<vmem>>, vector<16xf32>,
        %add3A_448 = arith.addf %add3A_428, %get3A_447 : vector<16xf32>
        %swap3A_449 = arith.constant 496 : index
        %swap3A_450 = tpu.vector_load %arg8[%swap3A_449] {strides = array<i32>} : memref<1024xf32, #tpu.memory_space<vmem>>, vector<16xf32>,
        tpu.vector_store %arg8[%swap3A_449], %broadcast_in_dim3A_3 {strides = array<i32>} : memref<1024xf32, #tpu.memory_space<vmem>>, vector<16xf32>,
        %get3A_451 = arith.constant 512 : index
        %get3A_452 = tpu.vector_load %arg8[%get3A_451] {strides = array<i32>} : memref<1024xf32, #tpu.memory_space<vmem>>, vector<16xf32>,
        %add3A_453 = arith.addf %add3A_433, %get3A_452 : vector<16xf32>
        %swap3A_454 = arith.constant 512 : index
        %swap3A_455 = tpu.vector_load %arg8[%swap3A_454] {strides = array<i32>} : memref<1024xf32, #tpu.memory_space<vmem>>, vector<16xf32>,
        tpu.vector_store %arg8[%swap3A_454], %broadcast_in_dim3A_3 {strides = array<i32>} : memref<1024xf32, #tpu.memory_space<vmem>>, vector<16xf32>,
        %get3A_456 = arith.constant 528 : index
        %get3A_457 = tpu.vector_load %arg8[%get3A_456] {strides = array<i32>} : memref<1024xf32, #tpu.memory_space<vmem>>, vector<16xf32>,
        %add3A_458 = arith.addf %add3A_438, %get3A_457 : vector<16xf32>
        %swap3A_459 = arith.constant 528 : index
        %swap3A_460 = tpu.vector_load %arg8[%swap3A_459] {strides = array<i32>} : memref<1024xf32, #tpu.memory_space<vmem>>, vector<16xf32>,
        tpu.vector_store %arg8[%swap3A_459], %broadcast_in_dim3A_3 {strides = array<i32>} : memref<1024xf32, #tpu.memory_space<vmem>>, vector<16xf32>,
        %get3A_461 = arith.constant 544 : index
        %get3A_462 = tpu.vector_load %arg8[%get3A_461] {strides = array<i32>} : memref<1024xf32, #tpu.memory_space<vmem>>, vector<16xf32>,
        %add3A_463 = arith.addf %add3A_443, %get3A_462 : vector<16xf32>
        %swap3A_464 = arith.constant 544 : index
        %swap3A_465 = tpu.vector_load %arg8[%swap3A_464] {strides = array<i32>} : memref<1024xf32, #tpu.memory_space<vmem>>, vector<16xf32>,
        tpu.vector_store %arg8[%swap3A_464], %broadcast_in_dim3A_3 {strides = array<i32>} : memref<1024xf32, #tpu.memory_space<vmem>>, vector<16xf32>,
        %get3A_466 = arith.constant 560 : index
        %get3A_467 = tpu.vector_load %arg8[%get3A_466] {strides = array<i32>} : memref<1024xf32, #tpu.memory_space<vmem>>, vector<16xf32>,
        %add3A_468 = arith.addf %add3A_448, %get3A_467 : vector<16xf32>
        %swap3A_469 = arith.constant 560 : index
        %swap3A_470 = tpu.vector_load %arg8[%swap3A_469] {strides = array<i32>} : memref<1024xf32, #tpu.memory_space<vmem>>, vector<16xf32>,
        tpu.vector_store %arg8[%swap3A_469], %broadcast_in_dim3A_3 {strides = array<i32>} : memref<1024xf32, #tpu.memory_space<vmem>>, vector<16xf32>,
        %get3A_471 = arith.constant 576 : index
        %get3A_472 = tpu.vector_load %arg8[%get3A_471] {strides = array<i32>} : memref<1024xf32, #tpu.memory_space<vmem>>, vector<16xf32>,
        %add3A_473 = arith.addf %add3A_453, %get3A_472 : vector<16xf32>
        %swap3A_474 = arith.constant 576 : index
        %swap3A_475 = tpu.vector_load %arg8[%swap3A_474] {strides = array<i32>} : memref<1024xf32, #tpu.memory_space<vmem>>, vector<16xf32>,
        tpu.vector_store %arg8[%swap3A_474], %broadcast_in_dim3A_3 {strides = array<i32>} : memref<1024xf32, #tpu.memory_space<vmem>>, vector<16xf32>,
        %get3A_476 = arith.constant 592 : index
        %get3A_477 = tpu.vector_load %arg8[%get3A_476] {strides = array<i32>} : memref<1024xf32, #tpu.memory_space<vmem>>, vector<16xf32>,
        %add3A_478 = arith.addf %add3A_458, %get3A_477 : vector<16xf32>
        %swap3A_479 = arith.constant 592 : index
        %swap3A_480 = tpu.vector_load %arg8[%swap3A_479] {strides = array<i32>} : memref<1024xf32, #tpu.memory_space<vmem>>, vector<16xf32>,
        tpu.vector_store %arg8[%swap3A_479], %broadcast_in_dim3A_3 {strides = array<i32>} : memref<1024xf32, #tpu.memory_space<vmem>>, vector<16xf32>,
        %get3A_481 = arith.constant 608 : index
        %get3A_482 = tpu.vector_load %arg8[%get3A_481] {strides = array<i32>} : memref<1024xf32, #tpu.memory_space<vmem>>, vector<16xf32>,
        %add3A_483 = arith.addf %add3A_463, %get3A_482 : vector<16xf32>
        %swap3A_484 = arith.constant 608 : index
        %swap3A_485 = tpu.vector_load %arg8[%swap3A_484] {strides = array<i32>} : memref<1024xf32, #tpu.memory_space<vmem>>, vector<16xf32>,
        tpu.vector_store %arg8[%swap3A_484], %broadcast_in_dim3A_3 {strides = array<i32>} : memref<1024xf32, #tpu.memory_space<vmem>>, vector<16xf32>,
        %get3A_486 = arith.constant 624 : index
        %get3A_487 = tpu.vector_load %arg8[%get3A_486] {strides = array<i32>} : memref<1024xf32, #tpu.memory_space<vmem>>, vector<16xf32>,
        %add3A_488 = arith.addf %add3A_468, %get3A_487 : vector<16xf32>
        %swap3A_489 = arith.constant 624 : index
        %swap3A_490 = tpu.vector_load %arg8[%swap3A_489] {strides = array<i32>} : memref<1024xf32, #tpu.memory_space<vmem>>, vector<16xf32>,
        tpu.vector_store %arg8[%swap3A_489], %broadcast_in_dim3A_3 {strides = array<i32>} : memref<1024xf32, #tpu.memory_space<vmem>>, vector<16xf32>,
        %get3A_491 = arith.constant 640 : index
        %get3A_492 = tpu.vector_load %arg8[%get3A_491] {strides = array<i32>} : memref<1024xf32, #tpu.memory_space<vmem>>, vector<16xf32>,
        %add3A_493 = arith.addf %add3A_473, %get3A_492 : vector<16xf32>
        %swap3A_494 = arith.constant 640 : index
        %swap3A_495 = tpu.vector_load %arg8[%swap3A_494] {strides = array<i32>} : memref<1024xf32, #tpu.memory_space<vmem>>, vector<16xf32>,
        tpu.vector_store %arg8[%swap3A_494], %broadcast_in_dim3A_3 {strides = array<i32>} : memref<1024xf32, #tpu.memory_space<vmem>>, vector<16xf32>,
        %get3A_496 = arith.constant 656 : index
        %get3A_497 = tpu.vector_load %arg8[%get3A_496] {strides = array<i32>} : memref<1024xf32, #tpu.memory_space<vmem>>, vector<16xf32>,
        %add3A_498 = arith.addf %add3A_478, %get3A_497 : vector<16xf32>
        %swap3A_499 = arith.constant 656 : index
        %swap3A_500 = tpu.vector_load %arg8[%swap3A_499] {strides = array<i32>} : memref<1024xf32, #tpu.memory_space<vmem>>, vector<16xf32>,
        tpu.vector_store %arg8[%swap3A_499], %broadcast_in_dim3A_3 {strides = array<i32>} : memref<1024xf32, #tpu.memory_space<vmem>>, vector<16xf32>,
        %get3A_501 = arith.constant 672 : index
        %get3A_502 = tpu.vector_load %arg8[%get3A_501] {strides = array<i32>} : memref<1024xf32, #tpu.memory_space<vmem>>, vector<16xf32>,
        %add3A_503 = arith.addf %add3A_483, %get3A_502 : vector<16xf32>
        %swap3A_504 = arith.constant 672 : index
        %swap3A_505 = tpu.vector_load %arg8[%swap3A_504] {strides = array<i32>} : memref<1024xf32, #tpu.memory_space<vmem>>, vector<16xf32>,
        tpu.vector_store %arg8[%swap3A_504], %broadcast_in_dim3A_3 {strides = array<i32>} : memref<1024xf32, #tpu.memory_space<vmem>>, vector<16xf32>,
        %get3A_506 = arith.constant 688 : index
        %get3A_507 = tpu.vector_load %arg8[%get3A_506] {strides = array<i32>} : memref<1024xf32, #tpu.memory_space<vmem>>, vector<16xf32>,
        %add3A_508 = arith.addf %add3A_488, %get3A_507 : vector<16xf32>
        %swap3A_509 = arith.constant 688 : index
        %swap3A_510 = tpu.vector_load %arg8[%swap3A_509] {strides = array<i32>} : memref<1024xf32, #tpu.memory_space<vmem>>, vector<16xf32>,
        tpu.vector_store %arg8[%swap3A_509], %broadcast_in_dim3A_3 {strides = array<i32>} : memref<1024xf32, #tpu.memory_space<vmem>>, vector<16xf32>,
        %get3A_511 = arith.constant 704 : index
        %get3A_512 = tpu.vector_load %arg8[%get3A_511] {strides = array<i32>} : memref<1024xf32, #tpu.memory_space<vmem>>, vector<16xf32>,
        %add3A_513 = arith.addf %add3A_493, %get3A_512 : vector<16xf32>
        %swap3A_514 = arith.constant 704 : index
        %swap3A_515 = tpu.vector_load %arg8[%swap3A_514] {strides = array<i32>} : memref<1024xf32, #tpu.memory_space<vmem>>, vector<16xf32>,
        tpu.vector_store %arg8[%swap3A_514], %broadcast_in_dim3A_3 {strides = array<i32>} : memref<1024xf32, #tpu.memory_space<vmem>>, vector<16xf32>,
        %get3A_516 = arith.constant 720 : index
        %get3A_517 = tpu.vector_load %arg8[%get3A_516] {strides = array<i32>} : memref<1024xf32, #tpu.memory_space<vmem>>, vector<16xf32>,
        %add3A_518 = arith.addf %add3A_498, %get3A_517 : vector<16xf32>
        %swap3A_519 = arith.constant 720 : index
        %swap3A_520 = tpu.vector_load %arg8[%swap3A_519] {strides = array<i32>} : memref<1024xf32, #tpu.memory_space<vmem>>, vector<16xf32>,
        tpu.vector_store %arg8[%swap3A_519], %broadcast_in_dim3A_3 {strides = array<i32>} : memref<1024xf32, #tpu.memory_space<vmem>>, vector<16xf32>,
        %get3A_521 = arith.constant 736 : index
        %get3A_522 = tpu.vector_load %arg8[%get3A_521] {strides = array<i32>} : memref<1024xf32, #tpu.memory_space<vmem>>, vector<16xf32>,
        %add3A_523 = arith.addf %add3A_503, %get3A_522 : vector<16xf32>
        %swap3A_524 = arith.constant 736 : index
        %swap3A_525 = tpu.vector_load %arg8[%swap3A_524] {strides = array<i32>} : memref<1024xf32, #tpu.memory_space<vmem>>, vector<16xf32>,
        tpu.vector_store %arg8[%swap3A_524], %broadcast_in_dim3A_3 {strides = array<i32>} : memref<1024xf32, #tpu.memory_space<vmem>>, vector<16xf32>,
        %get3A_526 = arith.constant 752 : index
        %get3A_527 = tpu.vector_load %arg8[%get3A_526] {strides = array<i32>} : memref<1024xf32, #tpu.memory_space<vmem>>, vector<16xf32>,
        %add3A_528 = arith.addf %add3A_508, %get3A_527 : vector<16xf32>
        %swap3A_529 = arith.constant 752 : index
        %swap3A_530 = tpu.vector_load %arg8[%swap3A_529] {strides = array<i32>} : memref<1024xf32, #tpu.memory_space<vmem>>, vector<16xf32>,
        tpu.vector_store %arg8[%swap3A_529], %broadcast_in_dim3A_3 {strides = array<i32>} : memref<1024xf32, #tpu.memory_space<vmem>>, vector<16xf32>,
        %get3A_531 = arith.constant 768 : index
        %get3A_532 = tpu.vector_load %arg8[%get3A_531] {strides = array<i32>} : memref<1024xf32, #tpu.memory_space<vmem>>, vector<16xf32>,
        %add3A_533 = arith.addf %add3A_513, %get3A_532 : vector<16xf32>
        %swap3A_534 = arith.constant 768 : index
        %swap3A_535 = tpu.vector_load %arg8[%swap3A_534] {strides = array<i32>} : memref<1024xf32, #tpu.memory_space<vmem>>, vector<16xf32>,
        tpu.vector_store %arg8[%swap3A_534], %broadcast_in_dim3A_3 {strides = array<i32>} : memref<1024xf32, #tpu.memory_space<vmem>>, vector<16xf32>,
        %get3A_536 = arith.constant 784 : index
        %get3A_537 = tpu.vector_load %arg8[%get3A_536] {strides = array<i32>} : memref<1024xf32, #tpu.memory_space<vmem>>, vector<16xf32>,
        %add3A_538 = arith.addf %add3A_518, %get3A_537 : vector<16xf32>
        %swap3A_539 = arith.constant 784 : index
        %swap3A_540 = tpu.vector_load %arg8[%swap3A_539] {strides = array<i32>} : memref<1024xf32, #tpu.memory_space<vmem>>, vector<16xf32>,
        tpu.vector_store %arg8[%swap3A_539], %broadcast_in_dim3A_3 {strides = array<i32>} : memref<1024xf32, #tpu.memory_space<vmem>>, vector<16xf32>,
        %get3A_541 = arith.constant 800 : index
        %get3A_542 = tpu.vector_load %arg8[%get3A_541] {strides = array<i32>} : memref<1024xf32, #tpu.memory_space<vmem>>, vector<16xf32>,
        %add3A_543 = arith.addf %add3A_523, %get3A_542 : vector<16xf32>
        %swap3A_544 = arith.constant 800 : index
        %swap3A_545 = tpu.vector_load %arg8[%swap3A_544] {strides = array<i32>} : memref<1024xf32, #tpu.memory_space<vmem>>, vector<16xf32>,
        tpu.vector_store %arg8[%swap3A_544], %broadcast_in_dim3A_3 {strides = array<i32>} : memref<1024xf32, #tpu.memory_space<vmem>>, vector<16xf32>,
        %get3A_546 = arith.constant 816 : index
        %get3A_547 = tpu.vector_load %arg8[%get3A_546] {strides = array<i32>} : memref<1024xf32, #tpu.memory_space<vmem>>, vector<16xf32>,
        %add3A_548 = arith.addf %add3A_528, %get3A_547 : vector<16xf32>
        %swap3A_549 = arith.constant 816 : index
        %swap3A_550 = tpu.vector_load %arg8[%swap3A_549] {strides = array<i32>} : memref<1024xf32, #tpu.memory_space<vmem>>, vector<16xf32>,
        tpu.vector_store %arg8[%swap3A_549], %broadcast_in_dim3A_3 {strides = array<i32>} : memref<1024xf32, #tpu.memory_space<vmem>>, vector<16xf32>,
        %get3A_551 = arith.constant 832 : index
        %get3A_552 = tpu.vector_load %arg8[%get3A_551] {strides = array<i32>} : memref<1024xf32, #tpu.memory_space<vmem>>, vector<16xf32>,
        %add3A_553 = arith.addf %add3A_533, %get3A_552 : vector<16xf32>
        %swap3A_554 = arith.constant 832 : index
        %swap3A_555 = tpu.vector_load %arg8[%swap3A_554] {strides = array<i32>} : memref<1024xf32, #tpu.memory_space<vmem>>, vector<16xf32>,
        tpu.vector_store %arg8[%swap3A_554], %broadcast_in_dim3A_3 {strides = array<i32>} : memref<1024xf32, #tpu.memory_space<vmem>>, vector<16xf32>,
        %get3A_556 = arith.constant 848 : index
        %get3A_557 = tpu.vector_load %arg8[%get3A_556] {strides = array<i32>} : memref<1024xf32, #tpu.memory_space<vmem>>, vector<16xf32>,
        %add3A_558 = arith.addf %add3A_538, %get3A_557 : vector<16xf32>
        %swap3A_559 = arith.constant 848 : index
        %swap3A_560 = tpu.vector_load %arg8[%swap3A_559] {strides = array<i32>} : memref<1024xf32, #tpu.memory_space<vmem>>, vector<16xf32>,
        tpu.vector_store %arg8[%swap3A_559], %broadcast_in_dim3A_3 {strides = array<i32>} : memref<1024xf32, #tpu.memory_space<vmem>>, vector<16xf32>,
        %get3A_561 = arith.constant 864 : index
        %get3A_562 = tpu.vector_load %arg8[%get3A_561] {strides = array<i32>} : memref<1024xf32, #tpu.memory_space<vmem>>, vector<16xf32>,
        %add3A_563 = arith.addf %add3A_543, %get3A_562 : vector<16xf32>
        %swap3A_564 = arith.constant 864 : index
        %swap3A_565 = tpu.vector_load %arg8[%swap3A_564] {strides = array<i32>} : memref<1024xf32, #tpu.memory_space<vmem>>, vector<16xf32>,
        tpu.vector_store %arg8[%swap3A_564], %broadcast_in_dim3A_3 {strides = array<i32>} : memref<1024xf32, #tpu.memory_space<vmem>>, vector<16xf32>,
        %get3A_566 = arith.constant 880 : index
        %get3A_567 = tpu.vector_load %arg8[%get3A_566] {strides = array<i32>} : memref<1024xf32, #tpu.memory_space<vmem>>, vector<16xf32>,
        %add3A_568 = arith.addf %add3A_548, %get3A_567 : vector<16xf32>
        %swap3A_569 = arith.constant 880 : index
        %swap3A_570 = tpu.vector_load %arg8[%swap3A_569] {strides = array<i32>} : memref<1024xf32, #tpu.memory_space<vmem>>, vector<16xf32>,
        tpu.vector_store %arg8[%swap3A_569], %broadcast_in_dim3A_3 {strides = array<i32>} : memref<1024xf32, #tpu.memory_space<vmem>>, vector<16xf32>,
        %get3A_571 = arith.constant 896 : index
        %get3A_572 = tpu.vector_load %arg8[%get3A_571] {strides = array<i32>} : memref<1024xf32, #tpu.memory_space<vmem>>, vector<16xf32>,
        %add3A_573 = arith.addf %add3A_553, %get3A_572 : vector<16xf32>
        %swap3A_574 = arith.constant 896 : index
        %swap3A_575 = tpu.vector_load %arg8[%swap3A_574] {strides = array<i32>} : memref<1024xf32, #tpu.memory_space<vmem>>, vector<16xf32>,
        tpu.vector_store %arg8[%swap3A_574], %broadcast_in_dim3A_3 {strides = array<i32>} : memref<1024xf32, #tpu.memory_space<vmem>>, vector<16xf32>,
        %get3A_576 = arith.constant 912 : index
        %get3A_577 = tpu.vector_load %arg8[%get3A_576] {strides = array<i32>} : memref<1024xf32, #tpu.memory_space<vmem>>, vector<16xf32>,
        %add3A_578 = arith.addf %add3A_558, %get3A_577 : vector<16xf32>
        %swap3A_579 = arith.constant 912 : index
        %swap3A_580 = tpu.vector_load %arg8[%swap3A_579] {strides = array<i32>} : memref<1024xf32, #tpu.memory_space<vmem>>, vector<16xf32>,
        tpu.vector_store %arg8[%swap3A_579], %broadcast_in_dim3A_3 {strides = array<i32>} : memref<1024xf32, #tpu.memory_space<vmem>>, vector<16xf32>,
        %get3A_581 = arith.constant 928 : index
        %get3A_582 = tpu.vector_load %arg8[%get3A_581] {strides = array<i32>} : memref<1024xf32, #tpu.memory_space<vmem>>, vector<16xf32>,
        %add3A_583 = arith.addf %add3A_563, %get3A_582 : vector<16xf32>
        %swap3A_584 = arith.constant 928 : index
        %swap3A_585 = tpu.vector_load %arg8[%swap3A_584] {strides = array<i32>} : memref<1024xf32, #tpu.memory_space<vmem>>, vector<16xf32>,
        tpu.vector_store %arg8[%swap3A_584], %broadcast_in_dim3A_3 {strides = array<i32>} : memref<1024xf32, #tpu.memory_space<vmem>>, vector<16xf32>,
        %get3A_586 = arith.constant 944 : index
        %get3A_587 = tpu.vector_load %arg8[%get3A_586] {strides = array<i32>} : memref<1024xf32, #tpu.memory_space<vmem>>, vector<16xf32>,
        %add3A_588 = arith.addf %add3A_568, %get3A_587 : vector<16xf32>
        %swap3A_589 = arith.constant 944 : index
        %swap3A_590 = tpu.vector_load %arg8[%swap3A_589] {strides = array<i32>} : memref<1024xf32, #tpu.memory_space<vmem>>, vector<16xf32>,
        tpu.vector_store %arg8[%swap3A_589], %broadcast_in_dim3A_3 {strides = array<i32>} : memref<1024xf32, #tpu.memory_space<vmem>>, vector<16xf32>,
        %get3A_591 = arith.constant 960 : index
        %get3A_592 = tpu.vector_load %arg8[%get3A_591] {strides = array<i32>} : memref<1024xf32, #tpu.memory_space<vmem>>, vector<16xf32>,
        %add3A_593 = arith.addf %add3A_573, %get3A_592 : vector<16xf32>
        %swap3A_594 = arith.constant 960 : index
        %swap3A_595 = tpu.vector_load %arg8[%swap3A_594] {strides = array<i32>} : memref<1024xf32, #tpu.memory_space<vmem>>, vector<16xf32>,
        tpu.vector_store %arg8[%swap3A_594], %broadcast_in_dim3A_3 {strides = array<i32>} : memref<1024xf32, #tpu.memory_space<vmem>>, vector<16xf32>,
        %get3A_596 = arith.constant 976 : index
        %get3A_597 = tpu.vector_load %arg8[%get3A_596] {strides = array<i32>} : memref<1024xf32, #tpu.memory_space<vmem>>, vector<16xf32>,
        %add3A_598 = arith.addf %add3A_578, %get3A_597 : vector<16xf32>
        %swap3A_599 = arith.constant 976 : index
        %swap3A_600 = tpu.vector_load %arg8[%swap3A_599] {strides = array<i32>} : memref<1024xf32, #tpu.memory_space<vmem>>, vector<16xf32>,
        tpu.vector_store %arg8[%swap3A_599], %broadcast_in_dim3A_3 {strides = array<i32>} : memref<1024xf32, #tpu.memory_space<vmem>>, vector<16xf32>,
        %get3A_601 = arith.constant 992 : index
        %get3A_602 = tpu.vector_load %arg8[%get3A_601] {strides = array<i32>} : memref<1024xf32, #tpu.memory_space<vmem>>, vector<16xf32>,
        %add3A_603 = arith.addf %add3A_583, %get3A_602 : vector<16xf32>
        %swap3A_604 = arith.constant 992 : index
        %swap3A_605 = tpu.vector_load %arg8[%swap3A_604] {strides = array<i32>} : memref<1024xf32, #tpu.memory_space<vmem>>, vector<16xf32>,
        tpu.vector_store %arg8[%swap3A_604], %broadcast_in_dim3A_3 {strides = array<i32>} : memref<1024xf32, #tpu.memory_space<vmem>>, vector<16xf32>,
        %get3A_606 = arith.constant 1008 : index
        %get3A_607 = tpu.vector_load %arg8[%get3A_606] {strides = array<i32>} : memref<1024xf32, #tpu.memory_space<vmem>>, vector<16xf32>,
        %add3A_608 = arith.addf %add3A_588, %get3A_607 : vector<16xf32>
        %swap3A_609 = arith.constant 1008 : index
        %swap3A_610 = tpu.vector_load %arg8[%swap3A_609] {strides = array<i32>} : memref<1024xf32, #tpu.memory_space<vmem>>, vector<16xf32>,
        tpu.vector_store %arg8[%swap3A_609], %broadcast_in_dim3A_3 {strides = array<i32>} : memref<1024xf32, #tpu.memory_space<vmem>>, vector<16xf32>,
        %get3A_611 = arith.constant 0 : index
        %get3A_612 = tpu.vector_load %arg9[%get3A_611] {strides = array<i32>} : memref<64xf32, #tpu.memory_space<vmem>>, vector<16xf32>,
        %mul3A_613 = arith.mulf %add3A_593, %get3A_612 : vector<16xf32>
        %add3A_614 = arith.addf %broadcast_in_dim3A_3, %mul3A_613 : vector<16xf32>
        %get3A_615 = arith.constant 0 : index
        %get3A_616 = tpu.vector_load %arg10[%get3A_615] {strides = array<i32>} : memref<64xf32, #tpu.memory_space<vmem>>, vector<16xf32>,
        %mul3A_617 = arith.mulf %add3A_593, %get3A_616 : vector<16xf32>
        %add3A_618 = arith.addf %broadcast_in_dim3A_3, %mul3A_617 : vector<16xf32>
        %get3A_619 = arith.constant 16 : index
        %get3A_620 = tpu.vector_load %arg9[%get3A_619] {strides = array<i32>} : memref<64xf32, #tpu.memory_space<vmem>>, vector<16xf32>,
        %mul3A_621 = arith.mulf %add3A_598, %get3A_620 : vector<16xf32>
        %add3A_622 = arith.addf %add3A_614, %mul3A_621 : vector<16xf32>
        %get3A_623 = arith.constant 16 : index
        %get3A_624 = tpu.vector_load %arg10[%get3A_623] {strides = array<i32>} : memref<64xf32, #tpu.memory_space<vmem>>, vector<16xf32>,
        %mul3A_625 = arith.mulf %add3A_598, %get3A_624 : vector<16xf32>
        %add3A_626 = arith.addf %add3A_618, %mul3A_625 : vector<16xf32>
        %get3A_627 = arith.constant 32 : index
        %get3A_628 = tpu.vector_load %arg9[%get3A_627] {strides = array<i32>} : memref<64xf32, #tpu.memory_space<vmem>>, vector<16xf32>,
        %mul3A_629 = arith.mulf %add3A_603, %get3A_628 : vector<16xf32>
        %add3A_630 = arith.addf %add3A_622, %mul3A_629 : vector<16xf32>
        %get3A_631 = arith.constant 32 : index
        %get3A_632 = tpu.vector_load %arg10[%get3A_631] {strides = array<i32>} : memref<64xf32, #tpu.memory_space<vmem>>, vector<16xf32>,
        %mul3A_633 = arith.mulf %add3A_603, %get3A_632 : vector<16xf32>
        %add3A_634 = arith.addf %add3A_626, %mul3A_633 : vector<16xf32>
        %get3A_635 = arith.constant 48 : index
        %get3A_636 = tpu.vector_load %arg9[%get3A_635] {strides = array<i32>} : memref<64xf32, #tpu.memory_space<vmem>>, vector<16xf32>,
        %mul3A_637 = arith.mulf %add3A_608, %get3A_636 : vector<16xf32>
        %add3A_638 = arith.addf %add3A_630, %mul3A_637 : vector<16xf32>
        %get3A_639 = arith.constant 48 : index
        %get3A_640 = tpu.vector_load %arg10[%get3A_639] {strides = array<i32>} : memref<64xf32, #tpu.memory_space<vmem>>, vector<16xf32>,
        %mul3A_641 = arith.mulf %add3A_608, %get3A_640 : vector<16xf32>
        %add3A_642 = arith.addf %add3A_634, %mul3A_641 : vector<16xf32>
        %mul3A_643 = arith.constant 16 : i32
        %mul3A_644 = arith.muli %scan3A_283, %mul3A_643 : i32
        %swap3A_645 = arith.index_cast %mul3A_644 : i32 to index
        %swap3A_646 = tpu.vector_load %arg13[%swap3A_645] {strides = array<i32>} : memref<256xf32, #tpu.memory_space<vmem>>, vector<16xf32>,
        tpu.vector_store %arg13[%swap3A_645], %add3A_638 {strides = array<i32>} : memref<256xf32, #tpu.memory_space<vmem>>, vector<16xf32>,
        %mul3A_647 = arith.constant 16 : i32
        %mul3A_648 = arith.muli %scan3A_283, %mul3A_647 : i32
        %swap3A_649 = arith.index_cast %mul3A_648 : i32 to index
        %swap3A_650 = tpu.vector_load %arg14[%swap3A_649] {strides = array<i32>} : memref<256xf32, #tpu.memory_space<vmem>>, vector<16xf32>,
        tpu.vector_store %arg14[%swap3A_649], %add3A_642 {strides = array<i32>} : memref<256xf32, #tpu.memory_space<vmem>>, vector<16xf32>,
      }
      %scan3A_163 = arith.constant 16 : i32
      %add3A_164 = arith.constant 0 : i32
      %add3A_165 = vector.broadcast %add3A_164 : i32 to vector<16xi32>
      %add3A_166 = arith.addi %mul3A_139, %add3A_165 : vector<16xi32>
      %gather3A = tpu.vector_load_idx %arg13[%add3A_166] : memref<256xf32, #tpu.memory_space<vmem>>[vector<16xi32>], vector<16xf32>,
      %add3A_167 = arith.addf %broadcast_in_dim3A_3, %gather3A : vector<16xf32>
      %gather3A_168 = tpu.vector_load_idx %arg14[%add3A_166] : memref<256xf32, #tpu.memory_space<vmem>>[vector<16xi32>], vector<16xf32>,
      %add3A_169 = arith.addf %broadcast_in_dim3A_3, %gather3A_168 : vector<16xf32>
      %add3A_170 = arith.constant 1 : i32
      %add3A_171 = vector.broadcast %add3A_170 : i32 to vector<16xi32>
      %add3A_172 = arith.addi %mul3A_139, %add3A_171 : vector<16xi32>
      %gather3A_173 = tpu.vector_load_idx %arg13[%add3A_172] : memref<256xf32, #tpu.memory_space<vmem>>[vector<16xi32>], vector<16xf32>,
      %add3A_174 = arith.addf %add3A_167, %gather3A_173 : vector<16xf32>
      %gather3A_175 = tpu.vector_load_idx %arg14[%add3A_172] : memref<256xf32, #tpu.memory_space<vmem>>[vector<16xi32>], vector<16xf32>,
      %add3A_176 = arith.addf %add3A_169, %gather3A_175 : vector<16xf32>
      %add3A_177 = arith.constant 2 : i32
      %add3A_178 = vector.broadcast %add3A_177 : i32 to vector<16xi32>
      %add3A_179 = arith.addi %mul3A_139, %add3A_178 : vector<16xi32>
      %gather3A_180 = tpu.vector_load_idx %arg13[%add3A_179] : memref<256xf32, #tpu.memory_space<vmem>>[vector<16xi32>], vector<16xf32>,
      %add3A_181 = arith.addf %add3A_174, %gather3A_180 : vector<16xf32>
      %gather3A_182 = tpu.vector_load_idx %arg14[%add3A_179] : memref<256xf32, #tpu.memory_space<vmem>>[vector<16xi32>], vector<16xf32>,
      %add3A_183 = arith.addf %add3A_176, %gather3A_182 : vector<16xf32>
      %add3A_184 = arith.constant 3 : i32
      %add3A_185 = vector.broadcast %add3A_184 : i32 to vector<16xi32>
      %add3A_186 = arith.addi %mul3A_139, %add3A_185 : vector<16xi32>
      %gather3A_187 = tpu.vector_load_idx %arg13[%add3A_186] : memref<256xf32, #tpu.memory_space<vmem>>[vector<16xi32>], vector<16xf32>,
      %add3A_188 = arith.addf %add3A_181, %gather3A_187 : vector<16xf32>
      %gather3A_189 = tpu.vector_load_idx %arg14[%add3A_186] : memref<256xf32, #tpu.memory_space<vmem>>[vector<16xi32>], vector<16xf32>,
      %add3A_190 = arith.addf %add3A_183, %gather3A_189 : vector<16xf32>
      %add3A_191 = arith.constant 4 : i32
      %add3A_192 = vector.broadcast %add3A_191 : i32 to vector<16xi32>
      %add3A_193 = arith.addi %mul3A_139, %add3A_192 : vector<16xi32>
      %gather3A_194 = tpu.vector_load_idx %arg13[%add3A_193] : memref<256xf32, #tpu.memory_space<vmem>>[vector<16xi32>], vector<16xf32>,
      %add3A_195 = arith.addf %add3A_188, %gather3A_194 : vector<16xf32>
      %gather3A_196 = tpu.vector_load_idx %arg14[%add3A_193] : memref<256xf32, #tpu.memory_space<vmem>>[vector<16xi32>], vector<16xf32>,
      %add3A_197 = arith.addf %add3A_190, %gather3A_196 : vector<16xf32>
      %add3A_198 = arith.constant 5 : i32
      %add3A_199 = vector.broadcast %add3A_198 : i32 to vector<16xi32>
      %add3A_200 = arith.addi %mul3A_139, %add3A_199 : vector<16xi32>
      %gather3A_201 = tpu.vector_load_idx %arg13[%add3A_200] : memref<256xf32, #tpu.memory_space<vmem>>[vector<16xi32>], vector<16xf32>,
      %add3A_202 = arith.addf %add3A_195, %gather3A_201 : vector<16xf32>
      %gather3A_203 = tpu.vector_load_idx %arg14[%add3A_200] : memref<256xf32, #tpu.memory_space<vmem>>[vector<16xi32>], vector<16xf32>,
      %add3A_204 = arith.addf %add3A_197, %gather3A_203 : vector<16xf32>
      %add3A_205 = arith.constant 6 : i32
      %add3A_206 = vector.broadcast %add3A_205 : i32 to vector<16xi32>
      %add3A_207 = arith.addi %mul3A_139, %add3A_206 : vector<16xi32>
      %gather3A_208 = tpu.vector_load_idx %arg13[%add3A_207] : memref<256xf32, #tpu.memory_space<vmem>>[vector<16xi32>], vector<16xf32>,
      %add3A_209 = arith.addf %add3A_202, %gather3A_208 : vector<16xf32>
      %gather3A_210 = tpu.vector_load_idx %arg14[%add3A_207] : memref<256xf32, #tpu.memory_space<vmem>>[vector<16xi32>], vector<16xf32>,
      %add3A_211 = arith.addf %add3A_204, %gather3A_210 : vector<16xf32>
      %add3A_212 = arith.constant 7 : i32
      %add3A_213 = vector.broadcast %add3A_212 : i32 to vector<16xi32>
      %add3A_214 = arith.addi %mul3A_139, %add3A_213 : vector<16xi32>
      %gather3A_215 = tpu.vector_load_idx %arg13[%add3A_214] : memref<256xf32, #tpu.memory_space<vmem>>[vector<16xi32>], vector<16xf32>,
      %add3A_216 = arith.addf %add3A_209, %gather3A_215 : vector<16xf32>
      %gather3A_217 = tpu.vector_load_idx %arg14[%add3A_214] : memref<256xf32, #tpu.memory_space<vmem>>[vector<16xi32>], vector<16xf32>,
      %add3A_218 = arith.addf %add3A_211, %gather3A_217 : vector<16xf32>
      %add3A_219 = arith.constant 8 : i32
      %add3A_220 = vector.broadcast %add3A_219 : i32 to vector<16xi32>
      %add3A_221 = arith.addi %mul3A_139, %add3A_220 : vector<16xi32>
      %gather3A_222 = tpu.vector_load_idx %arg13[%add3A_221] : memref<256xf32, #tpu.memory_space<vmem>>[vector<16xi32>], vector<16xf32>,
      %add3A_223 = arith.addf %add3A_216, %gather3A_222 : vector<16xf32>
      %gather3A_224 = tpu.vector_load_idx %arg14[%add3A_221] : memref<256xf32, #tpu.memory_space<vmem>>[vector<16xi32>], vector<16xf32>,
      %add3A_225 = arith.addf %add3A_218, %gather3A_224 : vector<16xf32>
      %add3A_226 = arith.constant 9 : i32
      %add3A_227 = vector.broadcast %add3A_226 : i32 to vector<16xi32>
      %add3A_228 = arith.addi %mul3A_139, %add3A_227 : vector<16xi32>
      %gather3A_229 = tpu.vector_load_idx %arg13[%add3A_228] : memref<256xf32, #tpu.memory_space<vmem>>[vector<16xi32>], vector<16xf32>,
      %add3A_230 = arith.addf %add3A_223, %gather3A_229 : vector<16xf32>
      %gather3A_231 = tpu.vector_load_idx %arg14[%add3A_228] : memref<256xf32, #tpu.memory_space<vmem>>[vector<16xi32>], vector<16xf32>,
      %add3A_232 = arith.addf %add3A_225, %gather3A_231 : vector<16xf32>
      %add3A_233 = arith.constant 10 : i32
      %add3A_234 = vector.broadcast %add3A_233 : i32 to vector<16xi32>
      %add3A_235 = arith.addi %mul3A_139, %add3A_234 : vector<16xi32>
      %gather3A_236 = tpu.vector_load_idx %arg13[%add3A_235] : memref<256xf32, #tpu.memory_space<vmem>>[vector<16xi32>], vector<16xf32>,
      %add3A_237 = arith.addf %add3A_230, %gather3A_236 : vector<16xf32>
      %gather3A_238 = tpu.vector_load_idx %arg14[%add3A_235] : memref<256xf32, #tpu.memory_space<vmem>>[vector<16xi32>], vector<16xf32>,
      %add3A_239 = arith.addf %add3A_232, %gather3A_238 : vector<16xf32>
      %add3A_240 = arith.constant 11 : i32
      %add3A_241 = vector.broadcast %add3A_240 : i32 to vector<16xi32>
      %add3A_242 = arith.addi %mul3A_139, %add3A_241 : vector<16xi32>
      %gather3A_243 = tpu.vector_load_idx %arg13[%add3A_242] : memref<256xf32, #tpu.memory_space<vmem>>[vector<16xi32>], vector<16xf32>,
      %add3A_244 = arith.addf %add3A_237, %gather3A_243 : vector<16xf32>
      %gather3A_245 = tpu.vector_load_idx %arg14[%add3A_242] : memref<256xf32, #tpu.memory_space<vmem>>[vector<16xi32>], vector<16xf32>,
      %add3A_246 = arith.addf %add3A_239, %gather3A_245 : vector<16xf32>
      %add3A_247 = arith.constant 12 : i32
      %add3A_248 = vector.broadcast %add3A_247 : i32 to vector<16xi32>
      %add3A_249 = arith.addi %mul3A_139, %add3A_248 : vector<16xi32>
      %gather3A_250 = tpu.vector_load_idx %arg13[%add3A_249] : memref<256xf32, #tpu.memory_space<vmem>>[vector<16xi32>], vector<16xf32>,
      %add3A_251 = arith.addf %add3A_244, %gather3A_250 : vector<16xf32>
      %gather3A_252 = tpu.vector_load_idx %arg14[%add3A_249] : memref<256xf32, #tpu.memory_space<vmem>>[vector<16xi32>], vector<16xf32>,
      %add3A_253 = arith.addf %add3A_246, %gather3A_252 : vector<16xf32>
      %add3A_254 = arith.constant 13 : i32
      %add3A_255 = vector.broadcast %add3A_254 : i32 to vector<16xi32>
      %add3A_256 = arith.addi %mul3A_139, %add3A_255 : vector<16xi32>
      %gather3A_257 = tpu.vector_load_idx %arg13[%add3A_256] : memref<256xf32, #tpu.memory_space<vmem>>[vector<16xi32>], vector<16xf32>,
      %add3A_258 = arith.addf %add3A_251, %gather3A_257 : vector<16xf32>
      %gather3A_259 = tpu.vector_load_idx %arg14[%add3A_256] : memref<256xf32, #tpu.memory_space<vmem>>[vector<16xi32>], vector<16xf32>,
      %add3A_260 = arith.addf %add3A_253, %gather3A_259 : vector<16xf32>
      %add3A_261 = arith.constant 14 : i32
      %add3A_262 = vector.broadcast %add3A_261 : i32 to vector<16xi32>
      %add3A_263 = arith.addi %mul3A_139, %add3A_262 : vector<16xi32>
      %gather3A_264 = tpu.vector_load_idx %arg13[%add3A_263] : memref<256xf32, #tpu.memory_space<vmem>>[vector<16xi32>], vector<16xf32>,
      %add3A_265 = arith.addf %add3A_258, %gather3A_264 : vector<16xf32>
      %gather3A_266 = tpu.vector_load_idx %arg14[%add3A_263] : memref<256xf32, #tpu.memory_space<vmem>>[vector<16xi32>], vector<16xf32>,
      %add3A_267 = arith.addf %add3A_260, %gather3A_266 : vector<16xf32>
      %add3A_268 = arith.constant 15 : i32
      %add3A_269 = vector.broadcast %add3A_268 : i32 to vector<16xi32>
      %add3A_270 = arith.addi %mul3A_139, %add3A_269 : vector<16xi32>
      %gather3A_271 = tpu.vector_load_idx %arg13[%add3A_270] : memref<256xf32, #tpu.memory_space<vmem>>[vector<16xi32>], vector<16xf32>,
      %add3A_272 = arith.addf %add3A_265, %gather3A_271 : vector<16xf32>
      %gather3A_273 = tpu.vector_load_idx %arg14[%add3A_270] : memref<256xf32, #tpu.memory_space<vmem>>[vector<16xi32>], vector<16xf32>,
      %add3A_274 = arith.addf %add3A_267, %gather3A_273 : vector<16xf32>
      %mul3A_275 = arith.constant 16 : i32
      %mul3A_276 = arith.muli %scan3A_155, %mul3A_275 : i32
      %swap3A_277 = arith.index_cast %mul3A_276 : i32 to index
      %swap3A_278 = tpu.vector_load %arg11[%swap3A_277] {strides = array<i32>} : memref<512xf32, #tpu.memory_space<vmem>>, vector<16xf32>,
      tpu.vector_store %arg11[%swap3A_277], %add3A_272 {strides = array<i32>} : memref<512xf32, #tpu.memory_space<vmem>>, vector<16xf32>,
      %mul3A_279 = arith.constant 16 : i32
      %mul3A_280 = arith.muli %scan3A_155, %mul3A_279 : i32
      %swap3A_281 = arith.index_cast %mul3A_280 : i32 to index
      %swap3A_282 = tpu.vector_load %arg12[%swap3A_281] {strides = array<i32>} : memref<512xf32, #tpu.memory_space<vmem>>, vector<16xf32>,
      tpu.vector_store %arg12[%swap3A_281], %add3A_274 {strides = array<i32>} : memref<512xf32, #tpu.memory_space<vmem>>, vector<16xf32>,
    }
    %scan3A_144 = arith.constant 32 : i32
    %broadcast_in_dim3A_145 = arith.constant 4.8828125E-4 : f32
    %broadcast_in_dim3A_146 = vector.broadcast %broadcast_in_dim3A_145 : f32 to vector<16xf32>
    %scan3A_147 = arith.constant 0 : i32
    %scan3A_148 = arith.constant 0 : i32
    %scan3A_149 = arith.constant 32 : i32
    %scan3A_150 = arith.addi %scan3A_148, %scan3A_149 : i32
    %scan3A_151 = arith.constant 1 : i32
    scf.for %scan3A_155 = %scan3A_148 to %scan3A_150 step %scan3A_151  : i32 {
      %mul3A_156 = arith.constant 16 : i32
      %mul3A_157 = arith.muli %scan3A_155, %mul3A_156 : i32
      %get3A = arith.index_cast %mul3A_157 : i32 to index
      %get3A_158 = tpu.vector_load %arg11[%get3A] {strides = array<i32>} : memref<512xf32, #tpu.memory_space<vmem>>, vector<16xf32>,
      %mul3A_159 = arith.mulf %get3A_158, %broadcast_in_dim3A_146 : vector<16xf32>
      %swap3A_160 = arith.index_cast %mul3A_157 : i32 to index
      %swap3A_161 = tpu.vector_load %arg11[%swap3A_160] {strides = array<i32>} : memref<512xf32, #tpu.memory_space<vmem>>, vector<16xf32>,
      tpu.vector_store %arg11[%swap3A_160], %mul3A_159 {strides = array<i32>} : memref<512xf32, #tpu.memory_space<vmem>>, vector<16xf32>,
      %get3A_162 = arith.index_cast %mul3A_157 : i32 to index
      %get3A_163 = tpu.vector_load %arg12[%get3A_162] {strides = array<i32>} : memref<512xf32, #tpu.memory_space<vmem>>, vector<16xf32>,
      %mul3A_164 = arith.mulf %get3A_163, %broadcast_in_dim3A_146 : vector<16xf32>
      %exp3A = math.exp %mul3A_164 : vector<16xf32>
      %swap3A_165 = arith.index_cast %mul3A_157 : i32 to index
      %swap3A_166 = tpu.vector_load %arg12[%swap3A_165] {strides = array<i32>} : memref<512xf32, #tpu.memory_space<vmem>>, vector<16xf32>,
      tpu.vector_store %arg12[%swap3A_165], %exp3A {strides = array<i32>} : memref<512xf32, #tpu.memory_space<vmem>>, vector<16xf32>,
    }
    %scan3A_152 = arith.constant 32 : i32
    %mul3A_153 = arith.constant 512 : i32
    %mul3A_154 = arith.muli %add3A, %mul3A_153 : i32
    "tpu.region"() ({
      %run_scoped3A = tpu.sem_alloc : memref<!tpu.dma_semaphore, #tpu.memory_space<semaphore_mem>>
      %dma_start3A = tpu.memref_slice %arg5[%mul3A_154] : memref<16384xf32, #tpu.memory_space<hbm>> -> memref<512xf32, #tpu.memory_space<hbm>>
      %dma_start3A_155 = tpu.memref_slice %arg5[%mul3A_154] : memref<16384xf32, #tpu.memory_space<hbm>> -> memref<512xf32, #tpu.memory_space<hbm>>
      tpu.enqueue_dma source(%arg11 : memref<512xf32, #tpu.memory_space<vmem>>) target(%dma_start3A_155 : memref<512xf32, #tpu.memory_space<hbm>>) target_semaphore(%run_scoped3A : memref<!tpu.dma_semaphore, #tpu.memory_space<semaphore_mem>>)
      %dma_wait3A = tpu.memref_slice %arg5[%mul3A_154] : memref<16384xf32, #tpu.memory_space<hbm>> -> memref<512xf32, #tpu.memory_space<hbm>>
      %dma_wait3A_156 = tpu.memref_slice %arg5[%mul3A_154] : memref<16384xf32, #tpu.memory_space<hbm>> -> memref<512xf32, #tpu.memory_space<hbm>>
      tpu.wait_dma2 semaphore(%run_scoped3A : memref<!tpu.dma_semaphore, #tpu.memory_space<semaphore_mem>>) src(%arg11 : memref<512xf32, #tpu.memory_space<vmem>>) dst(%dma_wait3A_156 : memref<512xf32, #tpu.memory_space<hbm>>)
      tpu.yield
    }) : () -> ()
    "tpu.region"() ({
      %run_scoped3A = tpu.sem_alloc : memref<!tpu.dma_semaphore, #tpu.memory_space<semaphore_mem>>
      %dma_start3A = tpu.memref_slice %arg6[%mul3A_154] : memref<16384xf32, #tpu.memory_space<hbm>> -> memref<512xf32, #tpu.memory_space<hbm>>
      %dma_start3A_155 = tpu.memref_slice %arg6[%mul3A_154] : memref<16384xf32, #tpu.memory_space<hbm>> -> memref<512xf32, #tpu.memory_space<hbm>>
      tpu.enqueue_dma source(%arg12 : memref<512xf32, #tpu.memory_space<vmem>>) target(%dma_start3A_155 : memref<512xf32, #tpu.memory_space<hbm>>) target_semaphore(%run_scoped3A : memref<!tpu.dma_semaphore, #tpu.memory_space<semaphore_mem>>)
      %dma_wait3A = tpu.memref_slice %arg6[%mul3A_154] : memref<16384xf32, #tpu.memory_space<hbm>> -> memref<512xf32, #tpu.memory_space<hbm>>
      %dma_wait3A_156 = tpu.memref_slice %arg6[%mul3A_154] : memref<16384xf32, #tpu.memory_space<hbm>> -> memref<512xf32, #tpu.memory_space<hbm>>
      tpu.wait_dma2 semaphore(%run_scoped3A : memref<!tpu.dma_semaphore, #tpu.memory_space<semaphore_mem>>) src(%arg12 : memref<512xf32, #tpu.memory_space<vmem>>) dst(%dma_wait3A_156 : memref<512xf32, #tpu.memory_space<hbm>>)
      tpu.yield
    }) : () -> ()
    return
  }
}

</mosaic_0001>

<sc_bundles>
// kernel: kernel.3.cloned.1.call-start
scs
__scs_entry_jumppad:
0x0: {  	(pc) =	sbr.rel $0x88, $3  }
0x1: {  	(tag) =	ssettag $0x0;
	lr =	simm.s32 $0x1  }
0x2: {  	[smem:$0x3F9E] =	sst lr;
	_ =	strace $0xD0000000  }
0x3: {  	_ = 	snop  }
0x4: {  	_ = 	snop  }
0x5: {  	_ = 	snop  }
0x6: {  	_ = 	snop  }
0x7: {  	_ = 	snop  }
__scs_overlays_trampoline_lowered:
0x8: {  	[smem:$0x3FAD] =	sst s0  }
0x9: {  	[smem:$0x3FAE] =	sst s1  }
0xa: {  	[smem:$0x3FAF] =	sst s2  }
0xb: {  	[smem:$0x3FB0] =	sst s3  }
0xc: {  	[smem:$0x3FB1] =	sst s4  }
0xd: {  	[smem:$0x3FB2] =	sst s5  }
0xe: {  	[smem:$0x3FB3] =	sst s6  }
0xf: {  	[smem:$0x3FB4] =	sst s7  }
0x10: {  	[smem:$0x3FB5] =	sst s8  }
0x11: {  	[smem:$0x3FB6] =	sst s9;
	s0 =	simm.s32 @!p0 $0x0  }
0x12: {  	s1 =	sld [smem:$0x3F9C];
	s0 =	simm.s32 @p0 $0x1  }
0x13: {  	[smem:$0x3FB7] =	sst s0;
	s0 =	simm.s32 @!p1 $0x0  }
0x14: {  	s2 =	sld [smem:$0x3F9B];
	s0 =	simm.s32 @p1 $0x1  }
0x15: {  	[smem:$0x3FB8] =	sst s0;
	s0 =	simm.s32 @!p2 $0x0  }
0x16: {  	s3 =	sld [smem:$0x3FDB];
	s0 =	simm.s32 @p2 $0x1  }
0x17: {  	s4 =	simm.s32 $0x1BF5;
	[smem:$0x3FBA] =	sst s0  }
0x18: {  	s0 =	sld [smem:$0x3F9D];
	_ =	swait.ge [sflag:s4], $0x0  }
0x19: {  	s7 =	sld [smem:$0x3F9E]  }
0x1a: {  	s8 =	sadd.s32 $0xFFFFE003, lr  }
0x1b: {  	s9 =	sadd.s32 $0xFFFFFEF7, lr;
	s5 =	simm.s32 $0xFFFFFFFF;
	p2 =	slt.u32 s8, $0xFFFFF086  }
0x1c: {  	p1 =	slt.u32 s9, $0xF7A;
	s5 =	simm.s32 @!p2 $0x0  }
0x1d: {  	s5 =	simm.s32 @p1 $0x1;
	p0 =	seq.s32 s7, s2  }
0x1e: {  	s7 =	smul.u32 @!p0 $0xF7A, s2;
	p2 =	seq.s32 @!p0 s5, $0x0  }
0x1f: {  	s9 =	smul.u32 $0xF7A, s1;
	s8 =	simm.s32 @!p0 $0x1BF5;
	p2 =	por !p2, p0  }
0x20: {  	[sflag:s8] =	ssyncset.s32 @!p0 $0xFFFFF086;
	s6 =	sadd.s32 @!p0 s3, s7;
	s7 =	simm.s32 @!p0 $0x108  }
0x21: {  	s3 =	sadd.s32 s3, s9;
	s6 =	sadd.s32 @!p0 $0x88, s6;
	s7 =	simm.s32 @p2 $0x1082  }
0x22: {  	[simem:s7], [sflag:s8] =	dma.local @!p0 [hbm:s6], $0xF7A  }
0x23: {  	s9 =	sor.u32 $0xD0000000, s2;
	s6 =	simm.s32 $0x108;
	_ =	swait.ge @!p0 [sflag:s8], $0x0  }
0x24: {  	s3 =	sadd.s32 $0x88, s3;
	s6 =	simm.s32 @!p1 $0x1082;
	[sflag:s4] =	ssyncset.s32 $0xFFFFF086  }
0x25: {  	[simem:s6], [sflag:s4] =	dma.local [hbm:s3], $0xF7A  }
0x26: {  	[smem:$0x3F9E] =	sst s1;
	(tag) =	ssettag s2;
	_ =	strace s9  }
0x27: {  	s1 =	sld [smem:$0x3FAE]  }
0x28: {  	s2 =	sld [smem:$0x3FAF]  }
0x29: {  	s4 =	sld [smem:$0x3FB1]  }
0x2a: {  	p0 =	seq.s32 s5, $0x0;
	s5 =	sld [smem:$0x3FB2]  }
0x2b: {  	s6 =	sld [smem:$0x3FB3]  }
0x2c: {  	s7 =	sld [smem:$0x3FB4]  }
0x2d: {  	s3 =	simm.s32 $0x108;
	s8 =	sld [smem:$0x3FB5]  }
0x2e: {  	s3 =	simm.s32 @!p0 $0x1082;
	s9 =	sld [smem:$0x3FB6]  }
0x2f: {  	lr =	sadd.s32 s0, s3;
	s0 =	sld [smem:$0x3FAD]  }
0x30: {  	s3 =	sld [smem:$0x3FB0]  }
0x31: {  	[smem:$0x3FB9] =	sst s10  }
0x32: {  	s10 =	sld [smem:$0x3FB7];
	_ =	sdelay $0x3  }
0x33: {  	p0 =	seq.s32 s10, $0x1;
	s10 =	sld [smem:$0x3FB9];
	_ =	sdelay $0x3  }
0x34: {  	[smem:$0x3FB9] =	sst s10  }
0x35: {  	s10 =	sld [smem:$0x3FB8];
	_ =	sdelay $0x3  }
0x36: {  	p1 =	seq.s32 s10, $0x1;
	s10 =	sld [smem:$0x3FB9];
	_ =	sdelay $0x3  }
0x37: {  	[smem:$0x3FB9] =	sst s10  }
0x38: {  	s10 =	sld [smem:$0x3FBA]  }
0x39: {  	_ = 	snop;
	(pc) =	sbr.ind lr, $3  }
0x3a: {  	_ = 	snop  }
0x3b: {  	_ = 	snop  }
0x3c: {  	p2 =	seq.s32 s10, $0x1;
	s10 =	sld [smem:$0x3FB9]  }
0x3d: {  	_ =	shalt  }
0x3e: {  	_ =	shalt  }
0x3f: {  	_ =	shalt  }
0x40: {  	_ =	shalt  }
0x41: {  	_ =	shalt  }
0x42: {  	_ =	shalt  }
0x43: {  	_ =	shalt  }
0x44: {  	_ =	shalt  }
0x45: {  	_ =	shalt  }
0x46: {  	_ =	shalt  }
0x47: {  	_ =	shalt  }
0x48: {  	_ =	shalt  }
0x49: {  	_ =	shalt  }
0x4a: {  	_ =	shalt  }
0x4b: {  	_ =	shalt  }
0x4c: {  	_ =	shalt  }
0x4d: {  	_ =	shalt  }
0x4e: {  	_ =	shalt  }
0x4f: {  	_ =	shalt  }
0x50: {  	_ =	shalt  }
0x51: {  	_ =	shalt  }
0x52: {  	_ =	shalt  }
0x53: {  	_ =	shalt  }
0x54: {  	_ =	shalt  }
0x55: {  	_ =	shalt  }
0x56: {  	_ =	shalt  }
0x57: {  	_ =	shalt  }
0x58: {  	_ =	shalt  }
0x59: {  	_ =	shalt  }
0x5a: {  	_ =	shalt  }
0x5b: {  	_ =	shalt  }
0x5c: {  	_ =	shalt  }
0x5d: {  	_ =	shalt  }
0x5e: {  	_ =	shalt  }
0x5f: {  	_ =	shalt  }
0x60: {  	_ =	shalt  }
0x61: {  	_ =	shalt  }
0x62: {  	_ =	shalt  }
0x63: {  	_ =	shalt  }
0x64: {  	_ =	shalt  }
0x65: {  	_ =	shalt  }
0x66: {  	_ =	shalt  }
0x67: {  	_ =	shalt  }
0x68: {  	_ =	shalt  }
0x69: {  	_ =	shalt  }
0x6a: {  	_ =	shalt  }
0x6b: {  	_ =	shalt  }
0x6c: {  	_ =	shalt  }
0x6d: {  	_ =	shalt  }
0x6e: {  	_ =	shalt  }
0x6f: {  	_ =	shalt  }
0x70: {  	_ =	shalt  }
0x71: {  	_ =	shalt  }
0x72: {  	_ =	shalt  }
0x73: {  	_ =	shalt  }
0x74: {  	_ =	shalt  }
0x75: {  	_ =	shalt  }
0x76: {  	_ =	shalt  }
0x77: {  	_ =	shalt  }
0x78: {  	_ =	shalt  }
0x79: {  	_ =	shalt  }
0x7a: {  	_ =	shalt  }
0x7b: {  	_ =	shalt  }
0x7c: {  	_ =	shalt  }
0x7d: {  	_ =	shalt  }
0x7e: {  	_ =	shalt  }
0x7f: {  	_ =	shalt  }
0x80: {  	_ =	shalt  }
0x81: {  	_ =	shalt  }
0x82: {  	_ =	shalt  }
0x83: {  	_ =	shalt  }
0x84: {  	_ =	shalt  }
0x85: {  	_ =	shalt  }
0x86: {  	_ =	shalt  }
0x87: {  	_ =	shalt  }
.Lfunc_end0:
.L_simem_size_0:
called_computation.1_lowered:
.L_overlay_start_0:
0x88: {  	s2 =	sld [smem:$0x3FD9]  }
0x89: {  	s3 =	sld [smem:$0x3FFE];
	_ =	sdelay $0x1  }
0x8a: {  	s1 =	srdreg.scid  }
0x8b: {  	s0 =	sand.u32 $0x1, s1  }
0x8c: {  	s14 =	sshll.u32 s0, $0xA;
	s2 =	sadd.s32 s3, s2  }
0x8d: {  	s2 =	sadd.s32 s2, s14  }
0x8e: {  	[smem:$0x3FC5] =	sst s2  }
0x8f: {  	_ = 	snop  }
0x90: {  	s2 =	sld [smem:$0x3FD0];
	_ =	sdelay $0x2  }
0x91: {  	s4 =	simm.s32 $0xA;
	s5 =	simm.s32 $0x10;
	s15 =	sld [smem:$0x3FC7]  }
0x92: {  	[smem:s5], [sflag:s4] =	dma.local [hbm:s2], $0x1  }
0x93: {  	_ =	swait.eq [sflag:s4], $0x1  }
0x94: {  	[sflag:s4] =	ssyncset.done $0x0  }
0x95: {  	s16 =	sld [smem:$0x10];
	[sflag:s4] =	ssyncadd.s32 $0xFFFFFFFF  }
0x96: {  	s17 =	sld [smem:$0x11];
	(tm) =	ssettm $0x1  }
0x97: {  	s18 =	sld [smem:$0x3FFB];
	_ =	sdelay $0x3  }
0x98: {  	_ =	strace s18  }
0x99: {  	s5 =	sld [smem:$0x3FFC];
	_ =	sdelay $0x3  }
0x9a: {  	_ =	strace s5  }
0x9b: {  	s5 =	sld [smem:$0x3FFD];
	_ =	sdelay $0x3  }
0x9c: {  	_ =	strace s5  }
0x9d: {  	_ =	strace $0x8FFFFFFF  }
0x9e: {  	s19 =	sld [smem:$0x3FDB];
	_ =	sdelay $0x1  }
0x9f: {  	s6 =	simm.s32 $_scs_section_size  }
0xa0: {  	s7 =	simm.s32 $_size__tile_overlayer_lowered;
	s8 =	simm.s32 $_tile_overlayer_lowered  }
0xa1: {  	s22 =	simm.s32 $0x1BFF;
	s21 =	sshll.u32 s8, $0x1;
	s5 =	sadd.s32 s6, s19  }
0xa2: {  	s9 =	simm.s32 $0x0;
	s20 =	sshll.u32 s7, $0x1;
	s7 =	sadd.s32 s21, s5  }
0xa3: {  	[timem:s9], [sflag:s22] =	dma.local [hbm:s7], s20  }
0xa4: {  	_ =	swait.ge [sflag:s22], s20  }
0xa5: {  	s6 =	ssub.s32 $0x0, s20;
	[sflag:s22] =	ssyncset.done $0x0  }
0xa6: {  	[sflag:s22] =	ssyncadd.s32 s6;
	_ =	sdelay $0x1  }
0xa7: {  	s23 =	simm.s32 $0x1B8B  }
0xa8: {  	_ =	swait.ge [sflag:s23], $0x1  }
0xa9: {  	[sflag:s23] =	ssyncset.done $0x0  }
0xaa: {  	s25 =	simm.s32 $0x1B8E;
	s24 =	sld [smem:$0x3FFE];
	[sflag:s23] =	ssyncadd.s32 $0xFFFFFFFF  }
0xab: {  	s26 =	simm.s32 $execute0_lowered;
	[smem:$0x3FD2] =	sst s25  }
0xac: {  	s7 =	sshll.u32 s26, $0x1;
	_ =	strace $0x80000049;
	[dreg:$0x1] =	wrdreg $0xFFFFFFFF  }
0xad: {  	s28 =	simm.s32 $_size_execute0_lowered;
	s5 =	sadd.s32 s5, s7;
	[dreg:$0x0] =	wrdreg $0x0  }
0xae: {  	s7 =	sshll.u32 s28, $0x1;
	[dreg:$0x2] =	wrdreg s5  }
0xaf: {  	[dreg:$0x3] =	wrdreg s7  }
0xb0: {  	[dreg:$0x4] =	wrdreg $0xC0  }
0xb1: {  	_ =	task [dreg:s9], $0x5FFFF  }
0xb2: {  	[dreg:$0x1] =	wrdreg $0xFFFFFFFF  }
0xb3: {  	[dreg:$0x0] =	wrdreg $0x60  }
0xb4: {  	[dreg:$0x2] =	wrdreg s24  }
0xb5: {  	[dreg:$0x3] =	wrdreg s15  }
0xb6: {  	[dreg:$0x4] =	wrdreg s16  }
0xb7: {  	[dreg:$0x5] =	wrdreg s17  }
0xb8: {  	[dreg:$0x6] =	wrdreg $0x9  }
0xb9: {  	_ =	task.clear_ibuf [dreg:s9], $0x7FFFF;
	_ =	strace $0x90000049  }
0xba: {  	s29 =	simm.s32 $0x9;
	_ =	strace $0x8000004B  }
0xbb: {  	_ =	swait.ge [sflag:s29], $0x1  }
0xbc: {  	[sflag:s29] =	ssyncadd.s32 $0xFFFFFFFF  }
0xbd: {  	_ =	strace $0x9000004B  }
0xbe: {  	_ =	sfence  }
0xbf: {  	s30 =	sld [smem:$0x0];
	_ =	sdelay $0x2  }
0xc0: {  	s31 =	sshll.u32 s1, $0xD;
	s1 =	sshrl.u32 s1, $0x2  }
0xc1: {  	s3 =	sand.u32 $0x4000, s31;
	s1 =	sadd.s32 s1, s30  }
0xc2: {  	s0 =	sor.u32 s3, s0;
	s1 =	sshll.u32 s1, $0x11  }
0xc3: {  	s0 =	sor.u32 s1, s0  }
0xc4: {  	s0 =	sadd.s32 $0x8F2B, s0  }
0xc5: {  	[sflag:s0] =	ssyncadd.remote.s32 $0x1  }
0xc6: {  	_ =	sfence.sel $0xFFFF  }
0xc7: {  	[dreg:$0x0] =	wrdreg $0xFFFFFFFF;
	(pc) =	sbr.abs _section_cstart, $3  }
0xc8: {  	[dreg:$0x1] =	wrdreg $0xFFFFFFFF  }
0xc9: {  	_ =	task.clear_ibuf [dreg:s9], $0x2FFFF;
	_ =	strace $0x9FFFFFFF  }
0xca: {  	(tm) =	ssettm $0x7FFFFFFF  }
0xcb: {  	_ =	shalt  }
tec
execute0_lowered:
.L_overlay_start_1:
0x0: {  	(tag) =	ssettag $0x1  }
0x1: {  	s4 =	rddreg [dreg:$0x0]  }
0x2: {  	s1 =	rddreg [dreg:$0x1]  }
0x3: {  	s6 =	rddreg [dreg:$0x2]  }
0x4: {  	s7 =	rddreg [dreg:$0x3]  }
0x5: {  	s0 =	rddreg [dreg:$0x4];
	s5 =	srdreg.scid  }
0x6: {  	s2 =	stileid.u32;
	s3 =	simm.s32 $0x0;
	s11 =	simm.s32 $0x8480  }
0x7: {  	v2 =	vlaneseq.u32;
	s12 =	simm.s32 $0x8000;
	s13 =	simm.s32 $0x8900;
	s14 =	simm.s32 $0x8A00  }
0x8: {  	s15 =	simm.s32 $0x8500;
	s16 =	simm.s32 $0x8700;
	s17 =	simm.s32 $0x0;
	v0 =	vmul.u32 $0x10, v2  }
0x9: {  	v1 =	vimm.f32 $0.0e+00;
	v3 =	vimm.f32 $1.000000000e+00;
	s5 =	sand.u32 $0x1, s5;
	s8 =	sshll.u32 s2, $0x1;
	[smem:$0x7FF] =	sst s3;
	v2 =	vmul.u32 $0x40, v2  }
0xa: {  	s8 =	sor.u32 s5, s8;
	_ =	strace $0x8000004A;
	s5 =	ssub.s32 $0x2, s5;
	v4 =	vor.u32 $0x1, v0;
	v5 =	vor.u32 $0x2, v0;
	v6 =	vor.u32 $0x3, v0  }
0xb: {  	s9 =	sshll.u32 s8, $0x11;
	s10 =	sshrl.u32 s5, $0x1;
	s8 =	sshll.u32 s8, $0x6;
	v7 =	vor.u32 $0x4, v0;
	v8 =	vor.u32 $0x5, v0;
	v9 =	vor.u32 $0x6, v0  }
0xc: {  	v10 =	vor.u32 $0x7, v0;
	v11 =	vor.u32 $0x8, v0;
	v12 =	vor.u32 $0x9, v0;
	s9 =	sadd.s32 s9, s4;
	s4 =	sadd.s32 $0x400800, s4;
	s10 =	ssub.s32 s5, s10  }
0xd: {  	v13 =	vor.u32 $0xA, v0;
	v14 =	vor.u32 $0xB, v0;
	v15 =	vor.u32 $0xC, v0;
	s6 =	sadd.s32 s6, s8;
	s7 =	sadd.s32 s7, s8;
	s5 =	sadd.s32 $0x800, s9  }
0xe: {  	v16 =	vor.u32 $0xD, v0;
	v17 =	vor.u32 $0xE, v0;
	v18 =	vor.u32 $0xF, v0;
	s8 =	smax.u32 s10, $0x1;
	s9 =	simm.s32 $0x8400;
	s10 =	simm.s32 $0x1  }
.LBB2_1:
0xf: {  	[tilespmem:s9], [sflag:$0x1] =	stream.linear.gather [hbm4b:s1+s3], $0x80, $0x38;
	[tilespmem:$0x8B00] =	vst v63  }
0x10: {  	_ =	swait.ge [sflag:s10], $0x80  }
0x11: {  	[sflag:s10] =	ssyncset.done $0x0  }
0x12: {  	[sflag:s10] =	ssyncadd.s32 $0xFFFFFF80  }
0x13: {  	[tilespmem:s11], [sflag:$0x1] =	stream.linear.gather [hbm4b:s4+s3], $0x80, $0x38;
	[tilespmem:$0x8B00] =	vst v63  }
0x14: {  	_ =	swait.ge [sflag:s10], $0x80  }
0x15: {  	[sflag:s10] =	ssyncset.done $0x0  }
0x16: {  	[sflag:s10] =	ssyncadd.s32 $0xFFFFFF80  }
0x17: {  	[tilespmem:$0x8000] =	vst v1  }
0x18: {  	[tilespmem:$0x8010] =	vst v1  }
0x19: {  	[tilespmem:$0x8020] =	vst v1  }
0x1a: {  	[tilespmem:$0x8030] =	vst v1  }
0x1b: {  	[tilespmem:$0x8040] =	vst v1  }
0x1c: {  	[tilespmem:$0x8050] =	vst v1  }
0x1d: {  	[tilespmem:$0x8060] =	vst v1  }
0x1e: {  	[tilespmem:$0x8070] =	vst v1  }
0x1f: {  	[tilespmem:$0x8080] =	vst v1  }
0x20: {  	[tilespmem:$0x8090] =	vst v1  }
0x21: {  	[tilespmem:$0x80A0] =	vst v1  }
0x22: {  	[tilespmem:$0x80B0] =	vst v1  }
0x23: {  	[tilespmem:$0x80C0] =	vst v1  }
0x24: {  	[tilespmem:$0x80D0] =	vst v1  }
0x25: {  	[tilespmem:$0x80E0] =	vst v1  }
0x26: {  	[tilespmem:$0x80F0] =	vst v1  }
0x27: {  	[tilespmem:$0x8100] =	vst v1  }
0x28: {  	[tilespmem:$0x8110] =	vst v1  }
0x29: {  	[tilespmem:$0x8120] =	vst v1  }
0x2a: {  	[tilespmem:$0x8130] =	vst v1  }
0x2b: {  	[tilespmem:$0x8140] =	vst v1  }
0x2c: {  	[tilespmem:$0x8150] =	vst v1  }
0x2d: {  	[tilespmem:$0x8160] =	vst v1  }
0x2e: {  	[tilespmem:$0x8170] =	vst v1  }
0x2f: {  	[tilespmem:$0x8180] =	vst v1  }
0x30: {  	[tilespmem:$0x8190] =	vst v1  }
0x31: {  	[tilespmem:$0x81A0] =	vst v1  }
0x32: {  	[tilespmem:$0x81B0] =	vst v1  }
0x33: {  	[tilespmem:$0x81C0] =	vst v1  }
0x34: {  	[tilespmem:$0x81D0] =	vst v1  }
0x35: {  	[tilespmem:$0x81E0] =	vst v1  }
0x36: {  	[tilespmem:$0x81F0] =	vst v1  }
0x37: {  	[tilespmem:$0x8200] =	vst v1  }
0x38: {  	[tilespmem:$0x8210] =	vst v1  }
0x39: {  	[tilespmem:$0x8220] =	vst v1  }
0x3a: {  	[tilespmem:$0x8230] =	vst v1  }
0x3b: {  	[tilespmem:$0x8240] =	vst v1  }
0x3c: {  	[tilespmem:$0x8250] =	vst v1  }
0x3d: {  	[tilespmem:$0x8260] =	vst v1  }
0x3e: {  	[tilespmem:$0x8270] =	vst v1  }
0x3f: {  	[tilespmem:$0x8280] =	vst v1  }
0x40: {  	[tilespmem:$0x8290] =	vst v1  }
0x41: {  	[tilespmem:$0x82A0] =	vst v1  }
0x42: {  	[tilespmem:$0x82B0] =	vst v1  }
0x43: {  	[tilespmem:$0x82C0] =	vst v1  }
0x44: {  	[tilespmem:$0x82D0] =	vst v1  }
0x45: {  	[tilespmem:$0x82E0] =	vst v1  }
0x46: {  	[tilespmem:$0x82F0] =	vst v1  }
0x47: {  	[tilespmem:$0x8300] =	vst v1  }
0x48: {  	[tilespmem:$0x8310] =	vst v1  }
0x49: {  	[tilespmem:$0x8320] =	vst v1  }
0x4a: {  	[tilespmem:$0x8330] =	vst v1  }
0x4b: {  	[tilespmem:$0x8340] =	vst v1  }
0x4c: {  	[tilespmem:$0x8350] =	vst v1  }
0x4d: {  	[tilespmem:$0x8360] =	vst v1  }
0x4e: {  	[tilespmem:$0x8370] =	vst v1  }
0x4f: {  	[tilespmem:$0x8380] =	vst v1  }
0x50: {  	[tilespmem:$0x8390] =	vst v1  }
0x51: {  	[tilespmem:$0x83A0] =	vst v1  }
0x52: {  	[tilespmem:$0x83B0] =	vst v1  }
0x53: {  	[tilespmem:$0x83C0] =	vst v1  }
0x54: {  	[tilespmem:$0x83D0] =	vst v1  }
0x55: {  	[tilespmem:$0x83E0] =	vst v1  }
0x56: {  	s18 =	simm.s32 $0x0;
	[tilespmem:$0x83F0] =	vst v1  }
.LBB2_2:
0x57: {  	s19 =	sshll.u32 s18, $0xC  }
0x58: {  	s20 =	sadd.s32 s19, s5;
	s19 =	simm.s32 $0x0  }
0x59: {  	[tilespmem:s19], [sflag:$0x1] =	stream.linear.gather [hbm4b:s20+s19], $0x8000, $0x38;
	[tilespmem:$0x8B00] =	vst v63  }
0x5a: {  	_ =	swait.ge [sflag:s10], $0x8000  }
0x5b: {  	[sflag:s10] =	ssyncset.done $0x0  }
0x5c: {  	s20 =	simm.s32 $0x40;
	[sflag:s10] =	ssyncadd.s32 $0xFFFF8000  }
.LBB2_3:
0x5d: {  	v19 =	vmov s20;
	_ =	sdelay $0x2  }
0x5e: {  	s21 =	simm.s32 $0x0  }
.LBB2_4:
0x5f: {  	s22 =	sshra.s32 s21, $0x2  }
0x60: {  	v20 =	vld.idx.msk [tilespmem:v19+s22+$0xFFFFFFC0 ss:$0x1], $0xffff;
	_ =	sdelay $0x4  }
0x61: {  	v20 =	vadd.s32 v2, v20;
	_ =	sdelay $0x4  }
0x62: {  	[tilespmem:v20+s12+$0x0] =	vst.idx.add.f32.msk $0xffff, v3  }
0x63: {  	v20 =	vld.idx.msk [tilespmem:v19+s22+$0xFFFFFFD0 ss:$0x1], $0xffff;
	_ =	sdelay $0x4  }
0x64: {  	v20 =	vadd.s32 v2, v20;
	_ =	sdelay $0x4  }
0x65: {  	[tilespmem:v20+s12+$0x0] =	vst.idx.add.f32.msk $0xffff, v3  }
0x66: {  	v20 =	vld.idx.msk [tilespmem:v19+s22+$0xFFFFFFE0 ss:$0x1], $0xffff;
	_ =	sdelay $0x4  }
0x67: {  	v20 =	vadd.s32 v2, v20;
	_ =	sdelay $0x4  }
0x68: {  	[tilespmem:v20+s12+$0x0] =	vst.idx.add.f32.msk $0xffff, v3  }
0x69: {  	v20 =	vld.idx.msk [tilespmem:v19+s22+$0xFFFFFFF0 ss:$0x1], $0xffff;
	_ =	sdelay $0x4  }
0x6a: {  	v20 =	vadd.s32 v2, v20;
	_ =	sdelay $0x4  }
0x6b: {  	[tilespmem:v20+s12+$0x0] =	vst.idx.add.f32.msk $0xffff, v3  }
0x6c: {  	v20 =	vld.idx.msk [tilespmem:v19+s22+$0x0 ss:$0x1], $0xffff;
	_ =	sdelay $0x4  }
0x6d: {  	v20 =	vadd.s32 v2, v20;
	_ =	sdelay $0x4  }
0x6e: {  	[tilespmem:v20+s12+$0x0] =	vst.idx.add.f32.msk $0xffff, v3  }
0x6f: {  	v20 =	vld.idx.msk [tilespmem:v19+s22+$0x10 ss:$0x1], $0xffff;
	_ =	sdelay $0x4  }
0x70: {  	v20 =	vadd.s32 v2, v20;
	_ =	sdelay $0x4  }
0x71: {  	[tilespmem:v20+s12+$0x0] =	vst.idx.add.f32.msk $0xffff, v3  }
0x72: {  	v20 =	vld.idx.msk [tilespmem:v19+s22+$0x20 ss:$0x1], $0xffff;
	_ =	sdelay $0x4  }
0x73: {  	v20 =	vadd.s32 v2, v20;
	_ =	sdelay $0x4  }
0x74: {  	[tilespmem:v20+s12+$0x0] =	vst.idx.add.f32.msk $0xffff, v3  }
0x75: {  	v20 =	vld.idx.msk [tilespmem:v19+s22+$0x30 ss:$0x1], $0xffff;
	_ =	sdelay $0x4  }
0x76: {  	p0 =	sne.s32 s21, $0x1E00;
	v20 =	vadd.s32 v2, v20  }
.Ltmp0:
0x77: {  	_ = 	snop;
	(pc) =	sbr.rel @p0 .LBB2_4-.Ltmp0, $2  }
0x78: {  	_ =	sdelay $0x2  }
0x79: {  	s21 =	sadd.s32 $0x200, s21;
	[tilespmem:v20+s12+$0x0] =	vst.idx.add.f32.msk $0xffff, v3  }
0x7a: {  	v19 =	vld [tilespmem:$0x8000]  }
0x7b: {  	v20 =	vld [tilespmem:$0x8010]  }
0x7c: {  	v21 =	vld [tilespmem:$0x8020]  }
0x7d: {  	v22 =	vld [tilespmem:$0x8030]  }
0x7e: {  	v23 =	vld [tilespmem:$0x8040]  }
0x7f: {  	v24 =	vld [tilespmem:$0x8050]  }
0x80: {  	v25 =	vld [tilespmem:$0x8060]  }
0x81: {  	v26 =	vld [tilespmem:$0x8070]  }
0x82: {  	v27 =	vld [tilespmem:$0x8080]  }
0x83: {  	v28 =	vld [tilespmem:$0x8090]  }
0x84: {  	v29 =	vld [tilespmem:$0x80A0]  }
0x85: {  	v30 =	vld [tilespmem:$0x80B0]  }
0x86: {  	v31 =	vld [tilespmem:$0x80C0]  }
0x87: {  	v32 =	vld [tilespmem:$0x80D0]  }
0x88: {  	v33 =	vld [tilespmem:$0x80E0]  }
0x89: {  	[tilespmem:$0x8000] =	vst v1;
	v34 =	vld [tilespmem:$0x80F0]  }
0x8a: {  	[tilespmem:$0x8010] =	vst v1;
	v35 =	vld [tilespmem:$0x8100]  }
0x8b: {  	[tilespmem:$0x8020] =	vst v1;
	v36 =	vld [tilespmem:$0x8110]  }
0x8c: {  	[tilespmem:$0x8030] =	vst v1;
	v37 =	vld [tilespmem:$0x8120]  }
0x8d: {  	[tilespmem:$0x8040] =	vst v1;
	v38 =	vld [tilespmem:$0x8130]  }
0x8e: {  	[tilespmem:$0x8050] =	vst v1;
	v39 =	vld [tilespmem:$0x8140]  }
0x8f: {  	[tilespmem:$0x8060] =	vst v1;
	v40 =	vld [tilespmem:$0x8150]  }
0x90: {  	[tilespmem:$0x8070] =	vst v1;
	v41 =	vld [tilespmem:$0x8160]  }
0x91: {  	[tilespmem:$0x8080] =	vst v1;
	v42 =	vld [tilespmem:$0x8170]  }
0x92: {  	[tilespmem:$0x8090] =	vst v1;
	v43 =	vld [tilespmem:$0x8180]  }
0x93: {  	[tilespmem:$0x80A0] =	vst v1;
	v44 =	vld [tilespmem:$0x8190]  }
0x94: {  	[tilespmem:$0x80B0] =	vst v1;
	v45 =	vld [tilespmem:$0x81A0]  }
0x95: {  	[tilespmem:$0x80C0] =	vst v1;
	v46 =	vld [tilespmem:$0x81B0]  }
0x96: {  	[tilespmem:$0x80D0] =	vst v1;
	v47 =	vld [tilespmem:$0x81C0]  }
0x97: {  	[tilespmem:$0x80E0] =	vst v1;
	v48 =	vld [tilespmem:$0x81D0]  }
0x98: {  	[tilespmem:$0x80F0] =	vst v1;
	v49 =	vld [tilespmem:$0x81E0]  }
0x99: {  	[tilespmem:$0x8100] =	vst v1;
	v50 =	vld [tilespmem:$0x81F0]  }
0x9a: {  	[tilespmem:$0x8110] =	vst v1;
	v51 =	vld [tilespmem:$0x8200]  }
0x9b: {  	[tilespmem:$0x8120] =	vst v1;
	v52 =	vld [tilespmem:$0x8210]  }
0x9c: {  	[tilespmem:$0x8130] =	vst v1;
	v53 =	vld [tilespmem:$0x8220]  }
0x9d: {  	[tilespmem:$0x8140] =	vst v1;
	v54 =	vld [tilespmem:$0x8230]  }
0x9e: {  	[tilespmem:$0x8150] =	vst v1;
	v55 =	vld [tilespmem:$0x8240]  }
0x9f: {  	[tilespmem:$0x8160] =	vst v1;
	v56 =	vld [tilespmem:$0x8250];
	v19 =	vadd.f32 $0.0e+00, v19  }
0xa0: {  	[tilespmem:$0x8170] =	vst v1;
	v57 =	vld [tilespmem:$0x8260]  }
0xa1: {  	[tilespmem:$0x8180] =	vst v1;
	v58 =	vld [tilespmem:$0x8280];
	v20 =	vadd.f32 $0.0e+00, v20;
	v19 =	vadd.f32 v23, v19  }
0xa2: {  	[tilespmem:$0x8190] =	vst v1;
	v59 =	vld [tilespmem:$0x8350];
	v21 =	vadd.f32 $0.0e+00, v21  }
0xa3: {  	[tilespmem:$0x81A0] =	vst v1;
	v60 =	vld [tilespmem:$0x8360];
	v20 =	vadd.f32 v24, v20;
	v19 =	vadd.f32 v27, v19  }
0xa4: {  	[tilespmem:$0x81B0] =	vst v1;
	v61 =	vld [tilespmem:$0x8370];
	v22 =	vadd.f32 $0.0e+00, v22;
	v21 =	vadd.f32 v25, v21  }
0xa5: {  	[tilespmem:$0x81C0] =	vst v1;
	v62 =	vld [tilespmem:$0x8380];
	v20 =	vadd.f32 v28, v20;
	v19 =	vadd.f32 v31, v19  }
0xa6: {  	[tilespmem:$0x81D0] =	vst v1;
	v63 =	vld [tilespmem:$0x8390];
	v22 =	vadd.f32 v26, v22;
	v21 =	vadd.f32 v29, v21  }
0xa7: {  	[tilespmem:$0x81E0] =	vst v1;
	v23 =	vld [tilespmem:$0x8270];
	v20 =	vadd.f32 v32, v20;
	v19 =	vadd.f32 v35, v19  }
0xa8: {  	[tilespmem:$0x81F0] =	vst v1;
	v24 =	vld [tilespmem:$0x8290];
	v22 =	vadd.f32 v30, v22;
	v21 =	vadd.f32 v33, v21  }
0xa9: {  	[tilespmem:$0x8200] =	vst v1;
	v25 =	vld [tilespmem:$0x82A0];
	v20 =	vadd.f32 v36, v20;
	v19 =	vadd.f32 v39, v19  }
0xaa: {  	[tilespmem:$0x8210] =	vst v1;
	v26 =	vld [tilespmem:$0x82C0];
	v22 =	vadd.f32 v34, v22;
	v21 =	vadd.f32 v37, v21  }
0xab: {  	[tilespmem:$0x8220] =	vst v1;
	v27 =	vld [tilespmem:$0x82B0];
	v20 =	vadd.f32 v40, v20;
	v19 =	vadd.f32 v43, v19  }
0xac: {  	[tilespmem:$0x8230] =	vst v1;
	v28 =	vld [tilespmem:$0x82D0];
	v22 =	vadd.f32 v38, v22;
	v21 =	vadd.f32 v41, v21  }
0xad: {  	[tilespmem:$0x8240] =	vst v1;
	v29 =	vld [tilespmem:$0x82E0];
	v20 =	vadd.f32 v44, v20;
	v19 =	vadd.f32 v47, v19  }
0xae: {  	[tilespmem:$0x8250] =	vst v1;
	v30 =	vld [tilespmem:$0x82F0];
	v22 =	vadd.f32 v42, v22;
	v21 =	vadd.f32 v45, v21  }
0xaf: {  	[tilespmem:$0x8260] =	vst v1;
	v31 =	vld [tilespmem:$0x8300];
	v20 =	vadd.f32 v48, v20;
	v19 =	vadd.f32 v51, v19  }
0xb0: {  	[tilespmem:$0x8280] =	vst v1;
	v32 =	vld [tilespmem:$0x8310];
	v22 =	vadd.f32 v46, v22;
	v21 =	vadd.f32 v49, v21  }
0xb1: {  	[tilespmem:$0x8350] =	vst v1;
	v33 =	vld [tilespmem:$0x8320];
	v20 =	vadd.f32 v52, v20;
	v19 =	vadd.f32 v55, v19  }
0xb2: {  	[tilespmem:$0x8360] =	vst v1;
	v34 =	vld [tilespmem:$0x8330];
	v22 =	vadd.f32 v50, v22;
	v21 =	vadd.f32 v53, v21  }
0xb3: {  	[tilespmem:$0x8370] =	vst v1;
	v35 =	vld [tilespmem:$0x8340];
	v20 =	vadd.f32 v56, v20;
	v19 =	vadd.f32 v58, v19  }
0xb4: {  	[tilespmem:$0x8380] =	vst v1;
	v44 =	vld [tilespmem:$0x83A0];
	v22 =	vadd.f32 v54, v22;
	v21 =	vadd.f32 v57, v21  }
0xb5: {  	[tilespmem:$0x8390] =	vst v1;
	v45 =	vld [tilespmem:$0x83B0];
	v20 =	vadd.f32 v24, v20;
	v19 =	vadd.f32 v26, v19  }
0xb6: {  	[tilespmem:$0x8270] =	vst v1;
	v46 =	vld [tilespmem:$0x83C0];
	v22 =	vadd.f32 v23, v22;
	v21 =	vadd.f32 v25, v21  }
0xb7: {  	[tilespmem:$0x8290] =	vst v1;
	v47 =	vld [tilespmem:$0x83D0];
	v20 =	vadd.f32 v28, v20;
	v19 =	vadd.f32 v31, v19  }
0xb8: {  	[tilespmem:$0x82A0] =	vst v1;
	v48 =	vld [tilespmem:$0x83E0];
	v22 =	vadd.f32 v27, v22;
	v21 =	vadd.f32 v29, v21  }
0xb9: {  	[tilespmem:$0x82C0] =	vst v1;
	v49 =	vld [tilespmem:$0x83F0];
	v20 =	vadd.f32 v32, v20;
	v19 =	vadd.f32 v35, v19  }
0xba: {  	[tilespmem:$0x82B0] =	vst v1;
	v50 =	vld [tilespmem:$0x8400];
	v22 =	vadd.f32 v30, v22;
	v21 =	vadd.f32 v33, v21  }
0xbb: {  	[tilespmem:$0x82D0] =	vst v1;
	v51 =	vld [tilespmem:$0x8480];
	v20 =	vadd.f32 v59, v20;
	v19 =	vadd.f32 v62, v19  }
0xbc: {  	[tilespmem:$0x82E0] =	vst v1;
	v52 =	vld [tilespmem:$0x8410];
	v22 =	vadd.f32 v34, v22;
	v21 =	vadd.f32 v60, v21  }
0xbd: {  	[tilespmem:$0x82F0] =	vst v1;
	v53 =	vld [tilespmem:$0x8490];
	v20 =	vadd.f32 v63, v20;
	v19 =	vadd.f32 v46, v19  }
0xbe: {  	[tilespmem:$0x8300] =	vst v1;
	v54 =	vld [tilespmem:$0x8420];
	v22 =	vadd.f32 v61, v22  }
0xbf: {  	[tilespmem:$0x8310] =	vst v1;
	v56 =	vld [tilespmem:$0x84A0];
	v21 =	vadd.f32 v44, v21;
	v20 =	vadd.f32 v47, v20;
	v55 =	vmul.f32 v50, v19  }
0xc0: {  	[tilespmem:$0x8320] =	vst v1;
	v57 =	vld [tilespmem:$0x8430];
	v22 =	vadd.f32 v45, v22;
	v19 =	vmul.f32 v51, v19  }
0xc1: {  	[tilespmem:$0x8330] =	vst v1;
	v59 =	vld [tilespmem:$0x84B0];
	v21 =	vadd.f32 v48, v21;
	v58 =	vmul.f32 v52, v20;
	v25 =	vadd.f32 $0.0e+00, v55  }
0xc2: {  	[tilespmem:$0x8340] =	vst v1;
	v20 =	vmul.f32 v53, v20;
	v19 =	vadd.f32 $0.0e+00, v19  }
0xc3: {  	[tilespmem:$0x83A0] =	vst v1;
	v22 =	vadd.f32 v49, v22;
	v61 =	vmul.f32 v54, v21;
	v60 =	vadd.f32 v58, v25  }
0xc4: {  	s21 =	sshll.u32 s19, $0x4;
	s19 =	sadd.s32 $0x1, s19;
	[tilespmem:$0x83B0] =	vst v1;
	v19 =	vadd.f32 v20, v19;
	v20 =	vmul.f32 v56, v21  }
0xc5: {  	p0 =	sne.s32 s19, $0x10;
	[tilespmem:$0x83C0] =	vst v1;
	v63 =	vmul.f32 v57, v22;
	v62 =	vadd.f32 v61, v60  }
.Ltmp1:
0xc6: {  	[tilespmem:$0x83D0] =	vst v1;
	v19 =	vadd.f32 v20, v19;
	v20 =	vmul.f32 v59, v22;
	(pc) =	sbr.rel @p0 .LBB2_3-.Ltmp1, $4  }
0xc7: {  	[tilespmem:$0x83E0] =	vst v1;
	v21 =	vadd.f32 v63, v62  }
0xc8: {  	[tilespmem:$0x83F0] =	vst v1;
	v19 =	vadd.f32 v20, v19  }
0xc9: {  	[tilespmem:s21+$0x8900] =	vst v21  }
0xca: {  	s20 =	sadd.s32 $0x800, s20;
	[tilespmem:s21+$0x8A00] =	vst v19  }
0xcb: {  	_ =	sdelay $0x3  }
0xcc: {  	v19 =	vld.idx.msk [tilespmem:v0+s13+$0x0], $0xffff  }
0xcd: {  	v20 =	vld.idx.msk [tilespmem:v0+s14+$0x0], $0xffff  }
0xce: {  	v21 =	vld.idx.msk [tilespmem:v4+s13+$0x0], $0xffff  }
0xcf: {  	v22 =	vld.idx.msk [tilespmem:v4+s14+$0x0], $0xffff  }
0xd0: {  	v23 =	vld.idx.msk [tilespmem:v5+s13+$0x0], $0xffff  }
0xd1: {  	v24 =	vld.idx.msk [tilespmem:v5+s14+$0x0], $0xffff;
	v19 =	vadd.f32 $0.0e+00, v19  }
0xd2: {  	v25 =	vld.idx.msk [tilespmem:v6+s13+$0x0], $0xffff;
	v20 =	vadd.f32 $0.0e+00, v20  }
0xd3: {  	v39 =	vld.idx.msk [tilespmem:v6+s14+$0x0], $0xffff;
	v19 =	vadd.f32 v21, v19  }
0xd4: {  	v40 =	vld.idx.msk [tilespmem:v7+s13+$0x0], $0xffff;
	v20 =	vadd.f32 v22, v20  }
0xd5: {  	v41 =	vld.idx.msk [tilespmem:v7+s14+$0x0], $0xffff;
	v19 =	vadd.f32 v23, v19  }
0xd6: {  	v42 =	vld.idx.msk [tilespmem:v8+s13+$0x0], $0xffff;
	v20 =	vadd.f32 v24, v20  }
0xd7: {  	v43 =	vld.idx.msk [tilespmem:v8+s14+$0x0], $0xffff;
	v19 =	vadd.f32 v25, v19  }
0xd8: {  	v44 =	vld.idx.msk [tilespmem:v9+s13+$0x0], $0xffff;
	v20 =	vadd.f32 v39, v20  }
0xd9: {  	v45 =	vld.idx.msk [tilespmem:v9+s14+$0x0], $0xffff;
	v19 =	vadd.f32 v40, v19  }
0xda: {  	v46 =	vld.idx.msk [tilespmem:v10+s13+$0x0], $0xffff;
	v20 =	vadd.f32 v41, v20  }
0xdb: {  	v47 =	vld.idx.msk [tilespmem:v10+s14+$0x0], $0xffff;
	v19 =	vadd.f32 v42, v19  }
0xdc: {  	v48 =	vld.idx.msk [tilespmem:v11+s13+$0x0], $0xffff;
	v20 =	vadd.f32 v43, v20  }
0xdd: {  	v49 =	vld.idx.msk [tilespmem:v11+s14+$0x0], $0xffff;
	v19 =	vadd.f32 v44, v19  }
0xde: {  	v50 =	vld.idx.msk [tilespmem:v12+s13+$0x0], $0xffff;
	v20 =	vadd.f32 v45, v20  }
0xdf: {  	v51 =	vld.idx.msk [tilespmem:v12+s14+$0x0], $0xffff;
	v19 =	vadd.f32 v46, v19  }
0xe0: {  	v52 =	vld.idx.msk [tilespmem:v13+s13+$0x0], $0xffff;
	v20 =	vadd.f32 v47, v20  }
0xe1: {  	v53 =	vld.idx.msk [tilespmem:v13+s14+$0x0], $0xffff;
	v19 =	vadd.f32 v48, v19  }
0xe2: {  	v54 =	vld.idx.msk [tilespmem:v14+s13+$0x0], $0xffff;
	v20 =	vadd.f32 v49, v20  }
0xe3: {  	v55 =	vld.idx.msk [tilespmem:v14+s14+$0x0], $0xffff;
	v19 =	vadd.f32 v50, v19  }
0xe4: {  	v56 =	vld.idx.msk [tilespmem:v15+s13+$0x0], $0xffff;
	v20 =	vadd.f32 v51, v20  }
0xe5: {  	v57 =	vld.idx.msk [tilespmem:v15+s14+$0x0], $0xffff;
	v19 =	vadd.f32 v52, v19  }
0xe6: {  	v58 =	vld.idx.msk [tilespmem:v16+s13+$0x0], $0xffff;
	v20 =	vadd.f32 v53, v20  }
0xe7: {  	v59 =	vld.idx.msk [tilespmem:v16+s14+$0x0], $0xffff;
	v19 =	vadd.f32 v54, v19  }
0xe8: {  	v60 =	vld.idx.msk [tilespmem:v17+s13+$0x0], $0xffff;
	v20 =	vadd.f32 v55, v20  }
0xe9: {  	v61 =	vld.idx.msk [tilespmem:v17+s14+$0x0], $0xffff;
	v19 =	vadd.f32 v56, v19  }
0xea: {  	v62 =	vld.idx.msk [tilespmem:v18+s13+$0x0], $0xffff;
	v20 =	vadd.f32 v57, v20  }
0xeb: {  	v63 =	vld.idx.msk [tilespmem:v18+s14+$0x0], $0xffff;
	v19 =	vadd.f32 v58, v19  }
0xec: {  	s19 =	sshll.u32 s18, $0x4;
	s18 =	sadd.s32 $0x1, s18;
	v20 =	vadd.f32 v59, v20  }
0xed: {  	p0 =	sne.s32 s18, $0x20;
	v19 =	vadd.f32 v60, v19  }
.Ltmp2:
0xee: {  	v20 =	vadd.f32 v61, v20;
	(pc) =	sbr.rel @p0 .LBB2_2-.Ltmp2, $4  }
0xef: {  	v19 =	vadd.f32 v62, v19  }
0xf0: {  	v20 =	vadd.f32 v63, v20  }
0xf1: {  	[tilespmem:s19+$0x8500] =	vst v19  }
0xf2: {  	[tilespmem:s19+$0x8700] =	vst v20  }
0xf3: {  	s18 =	simm.s32 $0x0;
	s19 =	simm.s32 $0x40  }
.LBB2_8:
0xf4: {  	p0 =	sne.s32 s19, $0x7C0;
	v19 =	vld [tilespmem:s18+$0x8700];
	_ =	sdelay $0x4  }
0xf5: {  	v19 =	vmul.f32 $4.882812500e-04, v19;
	_ =	sdelay $0x1  }
0xf6: {  	v19 =	vmul.f32 $1.442695020e+00, v19;
	_ =	sdelay $0x1  }
0xf7: {  	(erf) = vpow2.f32 v19;
	_ =	sdelay $0x1  }
0xf8: {  	v19 =	vld [tilespmem:s18+$0x8500];
	_ =	sdelay $0x3  }
.Ltmp3:
0xf9: {  	(pc) =	sbr.rel @p0 .LBB2_8-.Ltmp3, $3  }
0xfa: {  	v20 =	vmul.f32 $4.882812500e-04, v19;
	_ =	sdelay $0x1  }
0xfb: {  	[tilespmem:s18+$0x8500] =	vst v20;
	v19 =	vpop (erf)  }
0xfc: {  	[tilespmem:s18+$0x8700] =	vst v19;
	s18 =	sshra.s32 s19, $0x2;
	s19 =	sadd.s32 $0x40, s19  }
0xfd: {  	v19 =	vld [tilespmem:s18+$0x8700];
	_ =	sdelay $0x4  }
0xfe: {  	v19 =	vmul.f32 $4.882812500e-04, v19;
	_ =	sdelay $0x1  }
0xff: {  	v19 =	vmul.f32 $1.442695020e+00, v19;
	_ =	sdelay $0x1  }
0x100: {  	(erf) = vpow2.f32 v19;
	v19 =	vld [tilespmem:s18+$0x8500];
	_ =	sdelay $0x4  }
0x101: {  	v19 =	vmul.f32 $4.882812500e-04, v19;
	_ =	sdelay $0x3  }
0x102: {  	[tilespmem:s18+$0x8500] =	vst v19;
	v19 =	vpop (erf)  }
0x103: {  	[tilespmem:s18+$0x8700] =	vst v19  }
0x104: {  	[hbm4b:s6+s3] =	stream.linear.scatter [tilespmem:s15], [sflag:$0x1], $0x200, $0x38;
	[tilespmem:$0x8B00] =	vst v63  }
0x105: {  	s17 =	sadd.s32 $0x1, s17;
	_ =	swait.ge [sflag:s10], $0x200  }
0x106: {  	p0 =	sne.s32 s17, s8;
	[sflag:s10] =	ssyncset.done $0x0  }
.Ltmp4:
0x107: {  	[sflag:s10] =	ssyncadd.s32 $0xFFFFFE00;
	(pc) =	sbr.rel @p0 .LBB2_1-.Ltmp4, $4  }
0x108: {  	[hbm4b:s7+s3] =	stream.linear.scatter [tilespmem:s16], [sflag:$0x1], $0x200, $0x38;
	[tilespmem:$0x8B00] =	vst v63  }
0x109: {  	_ =	swait.ge [sflag:s10], $0x200  }
0x10a: {  	[sflag:s10] =	ssyncset.done $0x0  }
0x10b: {  	[sflag:s10] =	ssyncadd.s32 $0xFFFFFE00  }
0x10c: {  	_ =	sfence.sel $0x180000  }
0x10d: {  	[bflag:$0x0] =	sbarrier.arrive $0xFFFF  }
0x10e: {  	p0 =	sne.s32 s2, $0x0;
	_ =	strace $0x9000004A  }
0x10f: {  	s0 =	sadd.s32 @!p0 $0x100000, s0;
	[bflag:$0x2] =	sbarrier.arrive $0xFFFF  }
0x110: {  	[sflag:s0] =	ssyncadd.tile.s32 @!p0 $0x1;
	_ =	shalt  }
.Lfunc_end2:
_tile_overlayer_lowered:
.L_overlay_start_2:
0x111: {  	(tag) =	ssettag $0x2  }
0x112: {  	s0 =	rddreg [dreg:$0x0];
	s2 =	stileid.u32  }
0x113: {  	s1 =	rddreg [dreg:$0x1];
	p0 =	sne.s32 s2, $0x0  }
0x114: {  	s3 =	rddreg [dreg:$0x2];
	[bflag:$0x3] =	sbarrier.arrive $0xFFFF;
	s2 =	simm.s32 @!p0 $0x1C01  }
0x115: {  	[timem:s3], [sflag:s2] =	dma.local @!p0 [hbm:s0], s1  }
0x116: {  	s0 =	simm.s32 @!p0 $0x1  }
0x117: {  	_ =	swait.ge @!p0 [sflag:s0], s1  }
0x118: {  	s1 =	ssub.s32 @!p0 $0x0, s1;
	[sflag:s0] =	ssyncset.done @!p0 $0x0  }
0x119: {  	[sflag:s0] =	ssyncadd.s32 @!p0 s1  }
0x11a: {  	[bflag:$0x3] =	sbarrier.arrive $0xFFFF  }
0x11b: {  	_ =	shalt  }

// kernel: sparse-core-data-format-call.cloned.1.call-start
scs
called_computation_lowered:
.L_overlay_start_0:
0x0: {  	s2 =	sld [smem:$0x3FD9]  }
0x1: {  	s3 =	sld [smem:$0x3FFE];
	_ =	sdelay $0x1  }
0x2: {  	s1 =	srdreg.scid  }
0x3: {  	s0 =	sand.u32 $0x1, s1  }
0x4: {  	s18 =	sshll.u32 s0, $0xA;
	s2 =	sadd.s32 s3, s2  }
0x5: {  	s2 =	sadd.s32 s2, s18  }
0x6: {  	[smem:$0x3FC5] =	sst s2  }
0x7: {  	_ = 	snop  }
0x8: {  	s2 =	sld [smem:$0x3FC9];
	(tm) =	ssettm $0x1  }
0x9: {  	s19 =	sld [smem:$0x3FFB];
	_ =	sdelay $0x3  }
0xa: {  	_ =	strace s19  }
0xb: {  	s3 =	sld [smem:$0x3FFC];
	_ =	sdelay $0x3  }
0xc: {  	_ =	strace s3  }
0xd: {  	s3 =	sld [smem:$0x3FFD];
	_ =	sdelay $0x3  }
0xe: {  	_ =	strace s3  }
0xf: {  	_ =	strace $0x8FFFFFFF  }
0x10: {  	s20 =	sld [smem:$0x3FDB];
	_ =	sdelay $0x1  }
0x11: {  	s4 =	simm.s32 $_scs_section_size  }
0x12: {  	s5 =	simm.s32 $_size__tile_overlayer_lowered;
	s6 =	simm.s32 $_tile_overlayer_lowered  }
0x13: {  	s23 =	simm.s32 $0x1BFF;
	s22 =	sshll.u32 s6, $0x1;
	s3 =	sadd.s32 s4, s20  }
0x14: {  	s7 =	simm.s32 $0x0;
	s21 =	sshll.u32 s5, $0x1;
	s5 =	sadd.s32 s22, s3  }
0x15: {  	[timem:s7], [sflag:s23] =	dma.local [hbm:s5], s21  }
0x16: {  	_ =	swait.ge [sflag:s23], s21  }
0x17: {  	s4 =	ssub.s32 $0x0, s21;
	[sflag:s23] =	ssyncset.done $0x0  }
0x18: {  	[sflag:s23] =	ssyncadd.s32 s4;
	_ =	sdelay $0x1  }
0x19: {  	s24 =	simm.s32 $0x1B8B  }
0x1a: {  	_ =	swait.ge [sflag:s24], $0x1  }
0x1b: {  	[sflag:s24] =	ssyncset.done $0x0  }
0x1c: {  	s26 =	simm.s32 $0x1B8E;
	s25 =	sld [smem:$0x3FFE];
	[sflag:s24] =	ssyncadd.s32 $0xFFFFFFFF  }
0x1d: {  	s27 =	simm.s32 $execute0_lowered;
	[smem:$0x3FD2] =	sst s26  }
0x1e: {  	s5 =	sshll.u32 s27, $0x1;
	_ =	strace $0x80000046;
	[dreg:$0x1] =	wrdreg $0xFFFFFFFF  }
0x1f: {  	s28 =	simm.s32 $_size_execute0_lowered;
	s3 =	sadd.s32 s3, s5;
	[dreg:$0x0] =	wrdreg $0x0  }
0x20: {  	s5 =	sshll.u32 s28, $0x1;
	[dreg:$0x2] =	wrdreg s3  }
0x21: {  	[dreg:$0x3] =	wrdreg s5  }
0x22: {  	[dreg:$0x4] =	wrdreg $0xC0  }
0x23: {  	_ =	task [dreg:s7], $0x5FFFF  }
0x24: {  	[dreg:$0x1] =	wrdreg $0xFFFFFFFF  }
0x25: {  	[dreg:$0x0] =	wrdreg $0x60  }
0x26: {  	[dreg:$0x2] =	wrdreg s2  }
0x27: {  	[dreg:$0x3] =	wrdreg s25  }
0x28: {  	[dreg:$0x4] =	wrdreg $0x9  }
0x29: {  	_ =	task.clear_ibuf [dreg:s7], $0x5FFFF;
	_ =	strace $0x90000046  }
0x2a: {  	s29 =	simm.s32 $0x9;
	_ =	strace $0x80000048  }
0x2b: {  	_ =	swait.ge [sflag:s29], $0x1  }
0x2c: {  	[sflag:s29] =	ssyncadd.s32 $0xFFFFFFFF  }
0x2d: {  	_ =	strace $0x90000048  }
0x2e: {  	_ =	sfence  }
0x2f: {  	s30 =	sld [smem:$0x0];
	_ =	sdelay $0x2  }
0x30: {  	s31 =	sshll.u32 s1, $0xD;
	s1 =	sshrl.u32 s1, $0x2  }
0x31: {  	s3 =	sand.u32 $0x4000, s31;
	s1 =	sadd.s32 s1, s30  }
0x32: {  	s0 =	sor.u32 s3, s0;
	s1 =	sshll.u32 s1, $0x11  }
0x33: {  	s0 =	sor.u32 s1, s0  }
0x34: {  	s0 =	sadd.s32 $0x8F2B, s0  }
0x35: {  	[sflag:s0] =	ssyncadd.remote.s32 $0x1  }
0x36: {  	_ =	sfence.sel $0xFFFF  }
0x37: {  	[dreg:$0x0] =	wrdreg $0xFFFFFFFF;
	(pc) =	sbr.abs _section_cstart, $3  }
0x38: {  	[dreg:$0x1] =	wrdreg $0xFFFFFFFF  }
0x39: {  	_ =	task.clear_ibuf [dreg:s7], $0x2FFFF;
	_ =	strace $0x9FFFFFFF  }
0x3a: {  	(tm) =	ssettm $0x7FFFFFFF  }
0x3b: {  	_ =	shalt  }
tec
execute0_lowered:
.L_overlay_start_1:
0x0: {  	(tag) =	ssettag $0x1  }
0x1: {  	s2 =	rddreg [dreg:$0x0]  }
0x2: {  	s1 =	rddreg [dreg:$0x1]  }
0x3: {  	s0 =	rddreg [dreg:$0x2];
	_ =	strace $0x80000047;
	s4 =	srdreg.scid  }
.Ltmp0:
0x4: {  	s6 =	simm.s32 $0x2;
	p0 =	por $0x0, $0x0;
	(pc) =	sbr.rel .LBB1_1-.Ltmp0, $4  }
0x5: {  	s9 =	simm.s32 $0x0;
	s3 =	sadd.s32 $0x800, s1;
	s5 =	sshll.u32 s4, $0x4  }
0x6: {  	s1 =	stileid.u32;
	s4 =	simm.s32 $0x1;
	s5 =	sand.u32 $0x10, s5  }
0x7: {  	s7 =	simm.s32 $0x0;
	[sflag:s4] =	ssyncpa.u1 $0x0;
	s5 =	sor.u32 s1, s5  }
0x8: {  	[sflag:s6] =	ssyncpa.u1 $0x0;
	s6 =	simm.s32 $0x0;
	s8 =	smov.u32 s5  }
.LBB1_7:
0x9: {  	s11 =	sadd.s32 $0x20, s8  }
0xa: {  	p1 =	slt.u32 s7, $0x2;
	s7 =	sadd.s32 $0x1, s7;
	p2 =	sgt.s32 s11, $0x7FF  }
0xb: {  	s11 =	smov.u32 @p2 s5;
	p2 =	sne.s32 s7, $0x42  }
.Ltmp1:
0xc: {  	_ = 	snop;
	(pc) =	sbr.rel @!p2 .LBB1_8-.Ltmp1, $4  }
0xd: {  	s10 =	simm.s32 @!p1 $0x2  }
0xe: {  	_ =	swait.ge @!p1 [sflag:s10], $0x4000  }
0xf: {  	s9 =	smov.u32 s8;
	[sflag:s10] =	ssyncset.done @!p1 $0x0  }
0x10: {  	p0 =	por !p0, !p0;
	s8 =	smov.u32 s11;
	[sflag:s10] =	ssyncadd.s32 @!p1 $0xFFFFC000  }
.LBB1_1:
0x11: {  	p1 =	sgt.u32 s7, $0x3F  }
0x12: {  	s10 =	sxor.u32 @!p1 $0xFFFFFFFF, s7  }
0x13: {  	s11 =	sshll.u32 @!p1 s8, $0xB;
	s10 =	sshll.u32 @!p1 s10, $0xE  }
0x14: {  	s12 =	simm.s32 @!p1 $0x0;
	s11 =	sadd.s32 @!p1 s2, s11;
	s10 =	sand.u32 @!p1 $0x4000, s10  }
0x15: {  	[tilespmem:s10], [sflag:$0x1] =	stream.linear.gather @!p1 [hbm4b:s11+s12], $0x4000, $0x38;
	[tilespmem:$0x10000] =	vst v63  }
0x16: {  	p1 =	seq.s32 s7, $0x0  }
0x17: {  	p2 =	seq.s32 @!p1 s7, $0x41  }
0x18: {  	p1 =	por p1, p2  }
.Ltmp2:
0x19: {  	_ = 	snop;
	(pc) =	sbr.rel @p1 .LBB1_7-.Ltmp2, $1  }
0x1a: {  	_ =	sdelay $0x3  }
0x1b: {  	s10 =	simm.s32 $0x1;
	_ =	swait.ge [sflag:s4], $0x4000;
	s12 =	sshll.u32 s7, $0xE  }
0x1c: {  	s13 =	simm.s32 $0x0;
	s10 =	simm.s32 @!p0 $0x0;
	[sflag:s4] =	ssyncset.done $0x0  }
0x1d: {  	s12 =	sand.u32 $0x4000, s12;
	s11 =	sshll.u32 s10, $0xE;
	[sflag:s4] =	ssyncadd.s32 $0xFFFFC000  }
0x1e: {  	s12 =	sor.u32 $0x8000, s12;
	s10 =	sor.u32 $0x8040, s11;
	s11 =	sor.u32 $0x40, s11  }
.LBB1_3:
0x1f: {  	v0 =	vmov s11;
	_ =	sdelay $0x3  }
0x20: {  	s15 =	simm.s32 $0x0  }
0x21: {  	v6 =	vld.idx.msk [tilespmem:v0+s15+$0x30 ss:$0x1], $0xffff  }
0x22: {  	v7 =	vld.idx.msk [tilespmem:v0+s15+$0xFFFFFFC0 ss:$0x1], $0xffff  }
0x23: {  	v5 =	vld.idx.msk [tilespmem:v0+s15+$0xFFFFFFD0 ss:$0x1], $0xffff  }
0x24: {  	v4 =	vld.idx.msk [tilespmem:v0+s15+$0xFFFFFFE0 ss:$0x1], $0xffff  }
0x25: {  	v3 =	vld.idx.msk [tilespmem:v0+s15+$0xFFFFFFF0 ss:$0x1], $0xffff  }
0x26: {  	v1 =	vld.idx.msk [tilespmem:v0+s15+$0x0 ss:$0x1], $0xffff  }
0x27: {  	v2 =	vld.idx.msk [tilespmem:v0+s15+$0x10 ss:$0x1], $0xffff;
	[tilespmem:s10+$0x30] =	vst v6  }
0x28: {  	s14 =	simm.s32 $0x80;
	s16 =	simm.s32 $0x400;
	[tilespmem:s10+$0xFFFFFFC0] =	vst v7;
	v6 =	vld.idx.msk [tilespmem:v0+s15+$0x20 ss:$0x1], $0xffff;
	s15 =	smov.u32 s10  }
.LBB1_4:
0x29: {  	p1 =	sne.s32 s16, $0xE00;
	v7 =	vld.idx.msk [tilespmem:v0+s14+$0x30 ss:$0x1], $0xffff;
	[tilespmem:s15+$0xFFFFFFD0] =	vst v5  }
0x2a: {  	v8 =	vld.idx.msk [tilespmem:v0+s14+$0xFFFFFFC0 ss:$0x1], $0xffff;
	[tilespmem:s15+$0xFFFFFFE0] =	vst v4  }
0x2b: {  	v5 =	vld.idx.msk [tilespmem:v0+s14+$0xFFFFFFD0 ss:$0x1], $0xffff;
	[tilespmem:s15+$0xFFFFFFF0] =	vst v3  }
.Ltmp3:
0x2c: {  	v4 =	vld.idx.msk [tilespmem:v0+s14+$0xFFFFFFE0 ss:$0x1], $0xffff;
	[tilespmem:s15+$0x0] =	vst v1;
	(pc) =	sbr.rel @p1 .LBB1_4-.Ltmp3, $4  }
0x2d: {  	v3 =	vld.idx.msk [tilespmem:v0+s14+$0xFFFFFFF0 ss:$0x1], $0xffff;
	[tilespmem:s15+$0x10] =	vst v2  }
0x2e: {  	v1 =	vld.idx.msk [tilespmem:v0+s14+$0x0 ss:$0x1], $0xffff;
	[tilespmem:s15+$0x20] =	vst v6;
	s15 =	sadd.s32 $0x800, s15  }
0x2f: {  	v2 =	vld.idx.msk [tilespmem:v0+s14+$0x10 ss:$0x1], $0xffff;
	[tilespmem:s15+$0x30] =	vst v7  }
0x30: {  	[tilespmem:s15+$0xFFFFFFC0] =	vst v8;
	v6 =	vld.idx.msk [tilespmem:v0+s14+$0x20 ss:$0x1], $0xffff;
	s14 =	sshra.s32 s16, $0x2;
	s16 =	sadd.s32 $0x200, s16  }
0x31: {  	_ =	sdelay $0x2  }
0x32: {  	[tilespmem:s15+$0xFFFFFFD0] =	vst v5  }
0x33: {  	v56 =	vld.idx.msk [tilespmem:v0+s14+$0x30 ss:$0x1], $0xffff;
	[tilespmem:s15+$0xFFFFFFE0] =	vst v4  }
0x34: {  	v57 =	vld.idx.msk [tilespmem:v0+s14+$0xFFFFFFC0 ss:$0x1], $0xffff;
	[tilespmem:s15+$0xFFFFFFF0] =	vst v3  }
0x35: {  	v58 =	vld.idx.msk [tilespmem:v0+s14+$0xFFFFFFD0 ss:$0x1], $0xffff;
	[tilespmem:s15+$0x0] =	vst v1  }
0x36: {  	v59 =	vld.idx.msk [tilespmem:v0+s14+$0xFFFFFFE0 ss:$0x1], $0xffff;
	[tilespmem:s15+$0x10] =	vst v2  }
0x37: {  	v60 =	vld.idx.msk [tilespmem:v0+s14+$0xFFFFFFF0 ss:$0x1], $0xffff;
	s31 =	sadd.s32 $0x800, s15;
	[tilespmem:s15+$0x20] =	vst v6  }
0x38: {  	v61 =	vld.idx.msk [tilespmem:v0+s14+$0x0 ss:$0x1], $0xffff;
	[tilespmem:s31+$0x30] =	vst v56  }
0x39: {  	v62 =	vld.idx.msk [tilespmem:v0+s14+$0x10 ss:$0x1], $0xffff;
	s13 =	sadd.s32 $0x1, s13;
	[tilespmem:s31+$0xFFFFFFC0] =	vst v57  }
0x3a: {  	v63 =	vld.idx.msk [tilespmem:v0+s14+$0x20 ss:$0x1], $0xffff;
	p1 =	sne.s32 s13, $0x10;
	[tilespmem:s31+$0xFFFFFFD0] =	vst v58  }
.Ltmp4:
0x3b: {  	[tilespmem:s31+$0xFFFFFFE0] =	vst v59;
	(pc) =	sbr.rel @p1 .LBB1_3-.Ltmp4, $4  }
0x3c: {  	[tilespmem:s31+$0xFFFFFFF0] =	vst v60  }
0x3d: {  	[tilespmem:s31+$0x0] =	vst v61  }
0x3e: {  	[tilespmem:s31+$0x10] =	vst v62  }
0x3f: {  	s10 =	sadd.s32 $0x80, s10;
	s11 =	sadd.s32 $0x400, s11;
	[tilespmem:s31+$0x20] =	vst v63  }
.Ltmp5:
0x40: {  	(pc) =	sbr.rel .LBB1_7-.Ltmp5, $4  }
0x41: {  	_ = 	snop  }
0x42: {  	s9 =	sshll.u32 s9, $0xB  }
0x43: {  	s9 =	sadd.s32 s3, s9  }
0x44: {  	[hbm4b:s9+s6] =	stream.linear.scatter [tilespmem:s12], [sflag:$0x2], $0x4000, $0x38;
	[tilespmem:$0x10000] =	vst v63  }
.LBB1_8:
0x45: {  	_ =	sfence.sel $0x180000  }
0x46: {  	s2 =	simm.s32 $0x1;
	[bflag:$0x0] =	sbarrier.arrive $0xFFFF  }
0x47: {  	s31 =	simm.s32 $0x2;
	[sflag:s2] =	ssyncpa.u1 $0x1  }
0x48: {  	[sflag:s31] =	ssyncpa.u1 $0x1  }
0x49: {  	p0 =	sne.s32 s1, $0x0;
	_ =	strace $0x90000047  }
0x4a: {  	s0 =	sadd.s32 @!p0 $0x100000, s0;
	[bflag:$0x2] =	sbarrier.arrive $0xFFFF  }
0x4b: {  	[sflag:s0] =	ssyncadd.tile.s32 @!p0 $0x1;
	_ =	shalt  }
.Lfunc_end1:
_tile_overlayer_lowered:
.L_overlay_start_2:
0x4c: {  	(tag) =	ssettag $0x2  }
0x4d: {  	s0 =	rddreg [dreg:$0x0];
	s2 =	stileid.u32  }
0x4e: {  	s1 =	rddreg [dreg:$0x1];
	p0 =	sne.s32 s2, $0x0  }
0x4f: {  	s3 =	rddreg [dreg:$0x2];
	[bflag:$0x3] =	sbarrier.arrive $0xFFFF;
	s2 =	simm.s32 @!p0 $0x1C01  }
0x50: {  	[timem:s3], [sflag:s2] =	dma.local @!p0 [hbm:s0], s1  }
0x51: {  	s0 =	simm.s32 @!p0 $0x1  }
0x52: {  	_ =	swait.ge @!p0 [sflag:s0], s1  }
0x53: {  	s1 =	ssub.s32 @!p0 $0x0, s1;
	[sflag:s0] =	ssyncset.done @!p0 $0x0  }
0x54: {  	[sflag:s0] =	ssyncadd.s32 @!p0 s1  }
0x55: {  	[bflag:$0x3] =	sbarrier.arrive $0xFFFF  }
0x56: {  	_ =	shalt  }

</sc_bundles>
